<compile_context>
chip_gen: v7x
topology: tpu7x:2x2x1
jax: 0.10.2.dev20260603
libtpu: 0.0.44.dev20260713+nightly
codegen_flags: <defaults>
</compile_context>

<pallas_src>
import functools

import jax
import jax.numpy as jnp
from jax import lax
from jax.experimental import pallas as pl
from jax.experimental.pallas import tpu as pltpu
from jax.experimental.pallas import tpu_sc as plsc

NUM_ROWS = 1000000
D = 32

NC, NS = 2, 16
NW = NC * NS
G = 128
B_TOTAL = 16384 * 26
B_PER_W = B_TOTAL // NW
C = 1024
NCHUNK = B_PER_W // C
GPC = C // G
IDX_ROWS = B_PER_W // G


@functools.partial(
    pl.kernel,
    out_type=jax.ShapeDtypeStruct((B_TOTAL, D), jnp.float32),
    mesh=plsc.VectorSubcoreMesh(core_axis_name="c", subcore_axis_name="s"),
    scratch_types=[
        pltpu.VMEM((IDX_ROWS, G), jnp.int32),
        pltpu.VMEM((2, C, D), jnp.float32),
        pltpu.SemaphoreType.DMA,
        pltpu.SemaphoreType.DMA,
        pltpu.SemaphoreType.DMA,
    ],
    compiler_params=pltpu.CompilerParams(use_tc_tiling_on_sc=False),
)
def _gather_kernel(idx_hbm, table_hbm, out_hbm, idx_v, rows_v, gsem,
                   osem0, osem1):
    wid = lax.axis_index("s") * NC + lax.axis_index("c")
    row_base = wid * B_PER_W

    pltpu.sync_copy(
        idx_hbm.at[pl.ds(pl.multiple_of(row_base // G, IDX_ROWS), IDX_ROWS)],
        idx_v,
    )

    @pl.loop(0, NCHUNK)
    def _chunk(ci):
        b = lax.rem(ci, 2)
        off = pl.multiple_of(row_base + ci * C, C)

        @pl.when(ci >= 2)
        def _():
            @pl.when(b == 0)
            def _():
                pltpu.make_async_copy(
                    out_hbm.at[pl.ds(0, C)], rows_v.at[0], osem0
                ).wait()

            @pl.when(b == 1)
            def _():
                pltpu.make_async_copy(
                    out_hbm.at[pl.ds(0, C)], rows_v.at[1], osem1
                ).wait()

        copies = []
        for j in range(GPC):
            copies.append(
                pltpu.async_copy(
                    table_hbm.at[idx_v.at[ci * GPC + j]],
                    rows_v.at[b, pl.ds(j * G, G)],
                    gsem,
                )
            )
        for cp in copies:
            cp.wait()

        @pl.when(b == 0)
        def _():
            pltpu.async_copy(rows_v.at[0], out_hbm.at[pl.ds(off, C)], osem0)

        @pl.when(b == 1)
        def _():
            pltpu.async_copy(rows_v.at[1], out_hbm.at[pl.ds(off, C)], osem1)

    pltpu.make_async_copy(out_hbm.at[pl.ds(0, C)], rows_v.at[0], osem0).wait()
    pltpu.make_async_copy(out_hbm.at[pl.ds(0, C)], rows_v.at[1], osem1).wait()


def kernel(x, table):
    idx = x.reshape(B_TOTAL // G, G).astype(jnp.int32)
    out = _gather_kernel(idx, table)
    return out.reshape(x.shape + (D,))

# --- scband reference (transcript-rebuilt; emitter-appended) ---
"""Pipeline reference for scband-embedding-42253888258519 (READ-ONLY COPY).

The authoritative reference and input builder live on the scoring server;
editing this copy changes nothing except your own understanding.
"""

import jax, jax.numpy as jnp
import numpy as np

NUM_EMBEDDINGS = 1000000
EMBED_SIZE = 32

def setup_inputs(seed: int = 0) -> dict:
    key = jax.random.key(seed)
    k1, k2 = jax.random.split(key)
    x = jax.random.randint(k1, (16384, 26), 0, NUM_EMBEDDINGS, dtype=jnp.int64 if jax.config.jax_enable_x64 else jnp.int32)
    table = jax.random.normal(k2, (NUM_EMBEDDINGS, EMBED_SIZE), dtype=jnp.float32)
    return {"x": x, "table": table}

def reference(x, table):
    # nn.Embedding forward: row gather from the embedding table
    return jnp.take(table, x, axis=0)

if __name__ == "__main__":
    import jax
    _d = setup_inputs()
    print(jax.jit(kernel)(*tuple(_d.values())))

</pallas_src>

<mosaic_0001>
#map = affine_map<(d0, d1) -> (0, 0)>
module attributes {stable_mosaic.version = 14 : i64} {
  func.func @_gather_kernel(%arg0: i32, %arg1: i32, %arg2: memref<3328x128xi32, #tpu.memory_space<hbm>>, %arg3: memref<1000000x32xf32, #tpu.memory_space<hbm>>, %arg4: memref<425984x32xf32, #tpu.memory_space<hbm>>, %arg5: memref<104x128xi32, #tpu.memory_space<vmem>>, %arg6: memref<2x1024x32xf32, #tpu.memory_space<vmem>>, %arg7: memref<!tpu.dma_semaphore, #tpu.memory_space<semaphore_mem>>, %arg8: memref<!tpu.dma_semaphore, #tpu.memory_space<semaphore_mem>>, %arg9: memref<!tpu.dma_semaphore, #tpu.memory_space<semaphore_mem>>) attributes {dimension_semantics = [#tpu.dimension_semantics<core_parallel>, #tpu.dimension_semantics<subcore_parallel>], iteration_bounds = array<i64: 2, 16>, scalar_prefetch = 0 : i64, scratch_operands = 5 : i64, tpu.core_type = #tpu.core_type<sc_vector_subcore>, window_params = [{transform_indices = #map}, {transform_indices = #map}, {transform_indices = #map}]} {
    %mul3A = arith.constant 2 : i32
    %mul3A_0 = arith.muli %arg1, %mul3A : i32
    %add3A = arith.addi %mul3A_0, %arg0 : i32
    %mul3A_1 = arith.constant 13312 : i32
    %mul3A_2 = arith.muli %add3A, %mul3A_1 : i32
    %jit3A = arith.constant 128 : i32
    %div3A = arith.divsi %mul3A_2, %jit3A : i32
    %sign3A = arith.constant 0 : i32
    %sign3A_3 = arith.cmpi sgt, %mul3A_2, %sign3A : i32
    %sign3A_4 = arith.extui %sign3A_3 : i1 to i32
    %sign3A_5 = arith.constant 0 : i32
    %sign3A_6 = arith.cmpi slt, %mul3A_2, %sign3A_5 : i32
    %sign3A_7 = arith.extui %sign3A_6 : i1 to i32
    %sign3A_8 = arith.subi %sign3A_4, %sign3A_7 : i32
    %sign3A_9 = arith.constant 0 : i32
    %sign3A_10 = arith.cmpi sgt, %jit3A, %sign3A_9 : i32
    %sign3A_11 = arith.extui %sign3A_10 : i1 to i32
    %sign3A_12 = arith.constant 0 : i32
    %sign3A_13 = arith.cmpi slt, %jit3A, %sign3A_12 : i32
    %sign3A_14 = arith.extui %sign3A_13 : i1 to i32
    %sign3A_15 = arith.subi %sign3A_11, %sign3A_14 : i32
    %ne3A = arith.cmpi ne, %sign3A_8, %sign3A_15 : i32
    %rem3A = arith.remsi %mul3A_2, %jit3A : i32
    %ne3A_16 = arith.constant 0 : i32
    %ne3A_17 = arith.cmpi ne, %rem3A, %ne3A_16 : i32
    %and3A = arith.andi %ne3A, %ne3A_17 : i1
    %sub3A = arith.constant 1 : i32
    %sub3A_18 = arith.subi %div3A, %sub3A : i32
    %select_n3A = arith.select %and3A, %sub3A_18, %div3A : i32
    %multiple_of3A = tpu.assume_multiple %select_n3A, 104 : i32
    "tpu.region"() ({
      %run_scoped3A = tpu.sem_alloc : memref<!tpu.dma_semaphore, #tpu.memory_space<semaphore_mem>>
      %dma_start3A = arith.constant 0 : i32
      %dma_start3A_52 = tpu.memref_slice %arg2[%multiple_of3A, %dma_start3A] : memref<3328x128xi32, #tpu.memory_space<hbm>> -> memref<104x128xi32, #tpu.memory_space<hbm>>
      %dma_start3A_53 = arith.constant 0 : i32
      %dma_start3A_54 = tpu.memref_slice %arg2[%multiple_of3A, %dma_start3A_53] : memref<3328x128xi32, #tpu.memory_space<hbm>> -> memref<104x128xi32, #tpu.memory_space<hbm>>
      tpu.enqueue_dma source(%dma_start3A_54 : memref<104x128xi32, #tpu.memory_space<hbm>>) target(%arg5 : memref<104x128xi32, #tpu.memory_space<vmem>>) target_semaphore(%run_scoped3A : memref<!tpu.dma_semaphore, #tpu.memory_space<semaphore_mem>>)
      %dma_wait3A_55 = arith.constant 0 : i32
      %dma_wait3A_56 = tpu.memref_slice %arg2[%multiple_of3A, %dma_wait3A_55] : memref<3328x128xi32, #tpu.memory_space<hbm>> -> memref<104x128xi32, #tpu.memory_space<hbm>>
      %dma_wait3A_57 = arith.constant 0 : i32
      %dma_wait3A_58 = tpu.memref_slice %arg2[%multiple_of3A, %dma_wait3A_57] : memref<3328x128xi32, #tpu.memory_space<hbm>> -> memref<104x128xi32, #tpu.memory_space<hbm>>
      tpu.wait_dma2 semaphore(%run_scoped3A : memref<!tpu.dma_semaphore, #tpu.memory_space<semaphore_mem>>) src(%dma_wait3A_58 : memref<104x128xi32, #tpu.memory_space<hbm>>) dst(%arg5 : memref<104x128xi32, #tpu.memory_space<vmem>>)
      tpu.yield
    }) : () -> ()
    %scan3A = arith.constant 0 : i32
    %scan3A_19 = arith.constant 13 : i32
    %scan3A_20 = arith.addi %scan3A, %scan3A_19 : i32
    %scan3A_21 = arith.constant 1 : i32
    scf.for %scan3A_52 = %scan3A to %scan3A_20 step %scan3A_21  : i32 {
      %mul3A_53 = arith.constant 1 : i32
      %mul3A_54 = arith.muli %scan3A_52, %mul3A_53 : i32
      %add3A_55 = arith.constant 0 : i32
      %add3A_56 = arith.addi %add3A_55, %mul3A_54 : i32
      %rem3A_57 = arith.constant 2 : i32
      %rem3A_58 = arith.remsi %add3A_56, %rem3A_57 : i32
      %mul3A_59 = arith.constant 1024 : i32
      %mul3A_60 = arith.muli %add3A_56, %mul3A_59 : i32
      %add3A_61 = arith.addi %mul3A_2, %mul3A_60 : i32
      %multiple_of3A_62 = tpu.assume_multiple %add3A_61, 1024 : i32
      %ge3A = arith.constant 2 : i32
      %ge3A_63 = arith.cmpi sge, %add3A_56, %ge3A : i32
      %convert_element_type3A = arith.extui %ge3A_63 : i1 to i32
      %cond3A = arith.constant 0 : i32
      %cond3A_64 = arith.cmpi ne, %convert_element_type3A, %cond3A : i32
      scf.if %cond3A_64 {
        %eq3A_265 = arith.constant 0 : i32
        %eq3A_266 = arith.cmpi eq, %rem3A_58, %eq3A_265 : i32
        %convert_element_type3A_267 = arith.extui %eq3A_266 : i1 to i32
        %cond3A_268 = arith.constant 0 : i32
        %cond3A_269 = arith.cmpi ne, %convert_element_type3A_267, %cond3A_268 : i32
        scf.if %cond3A_269 {
          %dma_wait3A_275 = arith.constant 0 : i32
          %dma_wait3A_276 = arith.constant 0 : i32
          %dma_wait3A_277 = arith.constant 0 : i32
          %dma_wait3A_278 = tpu.memref_slice %arg6[%dma_wait3A_275, %dma_wait3A_276, %dma_wait3A_277] : memref<2x1024x32xf32, #tpu.memory_space<vmem>> -> memref<1x1024x32xf32, #tpu.memory_space<vmem>>
          %dma_wait3A_279 = tpu.memref_squeeze %dma_wait3A_278 : memref<1x1024x32xf32, #tpu.memory_space<vmem>> -> memref<1024x32xf32, #tpu.memory_space<vmem>>
          %dma_wait3A_280 = arith.constant 0 : i32
          %dma_wait3A_281 = arith.constant 0 : i32
          %dma_wait3A_282 = tpu.memref_slice %arg4[%dma_wait3A_280, %dma_wait3A_281] : memref<425984x32xf32, #tpu.memory_space<hbm>> -> memref<1024x32xf32, #tpu.memory_space<hbm>>
          %dma_wait3A_283 = arith.constant 0 : i32
          %dma_wait3A_284 = arith.constant 0 : i32
          %dma_wait3A_285 = tpu.memref_slice %arg6[%dma_wait3A_275, %dma_wait3A_283, %dma_wait3A_284] : memref<2x1024x32xf32, #tpu.memory_space<vmem>> -> memref<1x1024x32xf32, #tpu.memory_space<vmem>>
          %dma_wait3A_286 = tpu.memref_squeeze %dma_wait3A_285 : memref<1x1024x32xf32, #tpu.memory_space<vmem>> -> memref<1024x32xf32, #tpu.memory_space<vmem>>
          %dma_wait3A_287 = arith.constant 0 : i32
          %dma_wait3A_288 = arith.constant 0 : i32
          %dma_wait3A_289 = tpu.memref_slice %arg4[%dma_wait3A_287, %dma_wait3A_288] : memref<425984x32xf32, #tpu.memory_space<hbm>> -> memref<1024x32xf32, #tpu.memory_space<hbm>>
          tpu.wait_dma2 semaphore(%arg8 : memref<!tpu.dma_semaphore, #tpu.memory_space<semaphore_mem>>) src(%dma_wait3A_289 : memref<1024x32xf32, #tpu.memory_space<hbm>>) dst(%dma_wait3A_286 : memref<1024x32xf32, #tpu.memory_space<vmem>>)
        } else {
        }
        %eq3A_270 = arith.constant 1 : i32
        %eq3A_271 = arith.cmpi eq, %rem3A_58, %eq3A_270 : i32
        %convert_element_type3A_272 = arith.extui %eq3A_271 : i1 to i32
        %cond3A_273 = arith.constant 0 : i32
        %cond3A_274 = arith.cmpi ne, %convert_element_type3A_272, %cond3A_273 : i32
        scf.if %cond3A_274 {
          %dma_wait3A_275 = arith.constant 1 : i32
          %dma_wait3A_276 = arith.constant 0 : i32
          %dma_wait3A_277 = arith.constant 0 : i32
          %dma_wait3A_278 = tpu.memref_slice %arg6[%dma_wait3A_275, %dma_wait3A_276, %dma_wait3A_277] : memref<2x1024x32xf32, #tpu.memory_space<vmem>> -> memref<1x1024x32xf32, #tpu.memory_space<vmem>>
          %dma_wait3A_279 = tpu.memref_squeeze %dma_wait3A_278 : memref<1x1024x32xf32, #tpu.memory_space<vmem>> -> memref<1024x32xf32, #tpu.memory_space<vmem>>
          %dma_wait3A_280 = arith.constant 0 : i32
          %dma_wait3A_281 = arith.constant 0 : i32
          %dma_wait3A_282 = tpu.memref_slice %arg4[%dma_wait3A_280, %dma_wait3A_281] : memref<425984x32xf32, #tpu.memory_space<hbm>> -> memref<1024x32xf32, #tpu.memory_space<hbm>>
          %dma_wait3A_283 = arith.constant 0 : i32
          %dma_wait3A_284 = arith.constant 0 : i32
          %dma_wait3A_285 = tpu.memref_slice %arg6[%dma_wait3A_275, %dma_wait3A_283, %dma_wait3A_284] : memref<2x1024x32xf32, #tpu.memory_space<vmem>> -> memref<1x1024x32xf32, #tpu.memory_space<vmem>>
          %dma_wait3A_286 = tpu.memref_squeeze %dma_wait3A_285 : memref<1x1024x32xf32, #tpu.memory_space<vmem>> -> memref<1024x32xf32, #tpu.memory_space<vmem>>
          %dma_wait3A_287 = arith.constant 0 : i32
          %dma_wait3A_288 = arith.constant 0 : i32
          %dma_wait3A_289 = tpu.memref_slice %arg4[%dma_wait3A_287, %dma_wait3A_288] : memref<425984x32xf32, #tpu.memory_space<hbm>> -> memref<1024x32xf32, #tpu.memory_space<hbm>>
          tpu.wait_dma2 semaphore(%arg9 : memref<!tpu.dma_semaphore, #tpu.memory_space<semaphore_mem>>) src(%dma_wait3A_289 : memref<1024x32xf32, #tpu.memory_space<hbm>>) dst(%dma_wait3A_286 : memref<1024x32xf32, #tpu.memory_space<vmem>>)
        } else {
        }
      } else {
      }
      %mul3A_65 = arith.constant 8 : i32
      %mul3A_66 = arith.muli %add3A_56, %mul3A_65 : i32
      %add3A_67 = arith.constant 0 : i32
      %add3A_68 = arith.addi %mul3A_66, %add3A_67 : i32
      %dma_start3A = arith.constant 0 : i32
      %dma_start3A_69 = arith.constant 0 : i32
      %dma_start3A_70 = tpu.memref_slice %arg6[%rem3A_58, %dma_start3A, %dma_start3A_69] : memref<2x1024x32xf32, #tpu.memory_space<vmem>> -> memref<1x128x32xf32, #tpu.memory_space<vmem>>
      %dma_start3A_71 = tpu.memref_squeeze %dma_start3A_70 : memref<1x128x32xf32, #tpu.memory_space<vmem>> -> memref<128x32xf32, #tpu.memory_space<vmem>>
      %dma_start3A_72 = arith.constant 0 : i32
      %dma_start3A_73 = tpu.memref_slice %arg5[%add3A_68, %dma_start3A_72] : memref<104x128xi32, #tpu.memory_space<vmem>> -> memref<1x128xi32, #tpu.memory_space<vmem>>
      %dma_start3A_74 = tpu.memref_squeeze %dma_start3A_73 : memref<1x128xi32, #tpu.memory_space<vmem>> -> memref<128xi32, #tpu.memory_space<vmem>>
      %dma_start3A_75 = arith.constant 0 : i32
      %dma_start3A_76 = arith.constant 0 : i32
      %dma_start3A_77 = tpu.memref_slice %arg3[%dma_start3A_75, %dma_start3A_76] : memref<1000000x32xf32, #tpu.memory_space<hbm>> -> memref<1000000x32xf32, #tpu.memory_space<hbm>>
      tpu.enqueue_indirect_dma source(%dma_start3A_77 : memref<1000000x32xf32, #tpu.memory_space<hbm>>) target(%dma_start3A_71 : memref<128x32xf32, #tpu.memory_space<vmem>>) offsets(%dma_start3A_74 : memref<128xi32, #tpu.memory_space<vmem>>) semaphore(%arg7 : memref<!tpu.dma_semaphore, #tpu.memory_space<semaphore_mem>>)
      %mul3A_78 = arith.constant 8 : i32
      %mul3A_79 = arith.muli %add3A_56, %mul3A_78 : i32
      %add3A_80 = arith.constant 1 : i32
      %add3A_81 = arith.addi %mul3A_79, %add3A_80 : i32
      %dma_start3A_82 = arith.constant 128 : i32
      %dma_start3A_83 = arith.constant 0 : i32
      %dma_start3A_84 = tpu.memref_slice %arg6[%rem3A_58, %dma_start3A_82, %dma_start3A_83] : memref<2x1024x32xf32, #tpu.memory_space<vmem>> -> memref<1x128x32xf32, #tpu.memory_space<vmem>>
      %dma_start3A_85 = tpu.memref_squeeze %dma_start3A_84 : memref<1x128x32xf32, #tpu.memory_space<vmem>> -> memref<128x32xf32, #tpu.memory_space<vmem>>
      %dma_start3A_86 = arith.constant 0 : i32
      %dma_start3A_87 = tpu.memref_slice %arg5[%add3A_81, %dma_start3A_86] : memref<104x128xi32, #tpu.memory_space<vmem>> -> memref<1x128xi32, #tpu.memory_space<vmem>>
      %dma_start3A_88 = tpu.memref_squeeze %dma_start3A_87 : memref<1x128xi32, #tpu.memory_space<vmem>> -> memref<128xi32, #tpu.memory_space<vmem>>
      %dma_start3A_89 = arith.constant 0 : i32
      %dma_start3A_90 = arith.constant 0 : i32
      %dma_start3A_91 = tpu.memref_slice %arg3[%dma_start3A_89, %dma_start3A_90] : memref<1000000x32xf32, #tpu.memory_space<hbm>> -> memref<1000000x32xf32, #tpu.memory_space<hbm>>
      tpu.enqueue_indirect_dma source(%dma_start3A_91 : memref<1000000x32xf32, #tpu.memory_space<hbm>>) target(%dma_start3A_85 : memref<128x32xf32, #tpu.memory_space<vmem>>) offsets(%dma_start3A_88 : memref<128xi32, #tpu.memory_space<vmem>>) semaphore(%arg7 : memref<!tpu.dma_semaphore, #tpu.memory_space<semaphore_mem>>)
      %mul3A_92 = arith.constant 8 : i32
      %mul3A_93 = arith.muli %add3A_56, %mul3A_92 : i32
      %add3A_94 = arith.constant 2 : i32
      %add3A_95 = arith.addi %mul3A_93, %add3A_94 : i32
      %dma_start3A_96 = arith.constant 256 : i32
      %dma_start3A_97 = arith.constant 0 : i32
      %dma_start3A_98 = tpu.memref_slice %arg6[%rem3A_58, %dma_start3A_96, %dma_start3A_97] : memref<2x1024x32xf32, #tpu.memory_space<vmem>> -> memref<1x128x32xf32, #tpu.memory_space<vmem>>
      %dma_start3A_99 = tpu.memref_squeeze %dma_start3A_98 : memref<1x128x32xf32, #tpu.memory_space<vmem>> -> memref<128x32xf32, #tpu.memory_space<vmem>>
      %dma_start3A_100 = arith.constant 0 : i32
      %dma_start3A_101 = tpu.memref_slice %arg5[%add3A_95, %dma_start3A_100] : memref<104x128xi32, #tpu.memory_space<vmem>> -> memref<1x128xi32, #tpu.memory_space<vmem>>
      %dma_start3A_102 = tpu.memref_squeeze %dma_start3A_101 : memref<1x128xi32, #tpu.memory_space<vmem>> -> memref<128xi32, #tpu.memory_space<vmem>>
      %dma_start3A_103 = arith.constant 0 : i32
      %dma_start3A_104 = arith.constant 0 : i32
      %dma_start3A_105 = tpu.memref_slice %arg3[%dma_start3A_103, %dma_start3A_104] : memref<1000000x32xf32, #tpu.memory_space<hbm>> -> memref<1000000x32xf32, #tpu.memory_space<hbm>>
      tpu.enqueue_indirect_dma source(%dma_start3A_105 : memref<1000000x32xf32, #tpu.memory_space<hbm>>) target(%dma_start3A_99 : memref<128x32xf32, #tpu.memory_space<vmem>>) offsets(%dma_start3A_102 : memref<128xi32, #tpu.memory_space<vmem>>) semaphore(%arg7 : memref<!tpu.dma_semaphore, #tpu.memory_space<semaphore_mem>>)
      %mul3A_106 = arith.constant 8 : i32
      %mul3A_107 = arith.muli %add3A_56, %mul3A_106 : i32
      %add3A_108 = arith.constant 3 : i32
      %add3A_109 = arith.addi %mul3A_107, %add3A_108 : i32
      %dma_start3A_110 = arith.constant 384 : i32
      %dma_start3A_111 = arith.constant 0 : i32
      %dma_start3A_112 = tpu.memref_slice %arg6[%rem3A_58, %dma_start3A_110, %dma_start3A_111] : memref<2x1024x32xf32, #tpu.memory_space<vmem>> -> memref<1x128x32xf32, #tpu.memory_space<vmem>>
      %dma_start3A_113 = tpu.memref_squeeze %dma_start3A_112 : memref<1x128x32xf32, #tpu.memory_space<vmem>> -> memref<128x32xf32, #tpu.memory_space<vmem>>
      %dma_start3A_114 = arith.constant 0 : i32
      %dma_start3A_115 = tpu.memref_slice %arg5[%add3A_109, %dma_start3A_114] : memref<104x128xi32, #tpu.memory_space<vmem>> -> memref<1x128xi32, #tpu.memory_space<vmem>>
      %dma_start3A_116 = tpu.memref_squeeze %dma_start3A_115 : memref<1x128xi32, #tpu.memory_space<vmem>> -> memref<128xi32, #tpu.memory_space<vmem>>
      %dma_start3A_117 = arith.constant 0 : i32
      %dma_start3A_118 = arith.constant 0 : i32
      %dma_start3A_119 = tpu.memref_slice %arg3[%dma_start3A_117, %dma_start3A_118] : memref<1000000x32xf32, #tpu.memory_space<hbm>> -> memref<1000000x32xf32, #tpu.memory_space<hbm>>
      tpu.enqueue_indirect_dma source(%dma_start3A_119 : memref<1000000x32xf32, #tpu.memory_space<hbm>>) target(%dma_start3A_113 : memref<128x32xf32, #tpu.memory_space<vmem>>) offsets(%dma_start3A_116 : memref<128xi32, #tpu.memory_space<vmem>>) semaphore(%arg7 : memref<!tpu.dma_semaphore, #tpu.memory_space<semaphore_mem>>)
      %mul3A_120 = arith.constant 8 : i32
      %mul3A_121 = arith.muli %add3A_56, %mul3A_120 : i32
      %add3A_122 = arith.constant 4 : i32
      %add3A_123 = arith.addi %mul3A_121, %add3A_122 : i32
      %dma_start3A_124 = arith.constant 512 : i32
      %dma_start3A_125 = arith.constant 0 : i32
      %dma_start3A_126 = tpu.memref_slice %arg6[%rem3A_58, %dma_start3A_124, %dma_start3A_125] : memref<2x1024x32xf32, #tpu.memory_space<vmem>> -> memref<1x128x32xf32, #tpu.memory_space<vmem>>
      %dma_start3A_127 = tpu.memref_squeeze %dma_start3A_126 : memref<1x128x32xf32, #tpu.memory_space<vmem>> -> memref<128x32xf32, #tpu.memory_space<vmem>>
      %dma_start3A_128 = arith.constant 0 : i32
      %dma_start3A_129 = tpu.memref_slice %arg5[%add3A_123, %dma_start3A_128] : memref<104x128xi32, #tpu.memory_space<vmem>> -> memref<1x128xi32, #tpu.memory_space<vmem>>
      %dma_start3A_130 = tpu.memref_squeeze %dma_start3A_129 : memref<1x128xi32, #tpu.memory_space<vmem>> -> memref<128xi32, #tpu.memory_space<vmem>>
      %dma_start3A_131 = arith.constant 0 : i32
      %dma_start3A_132 = arith.constant 0 : i32
      %dma_start3A_133 = tpu.memref_slice %arg3[%dma_start3A_131, %dma_start3A_132] : memref<1000000x32xf32, #tpu.memory_space<hbm>> -> memref<1000000x32xf32, #tpu.memory_space<hbm>>
      tpu.enqueue_indirect_dma source(%dma_start3A_133 : memref<1000000x32xf32, #tpu.memory_space<hbm>>) target(%dma_start3A_127 : memref<128x32xf32, #tpu.memory_space<vmem>>) offsets(%dma_start3A_130 : memref<128xi32, #tpu.memory_space<vmem>>) semaphore(%arg7 : memref<!tpu.dma_semaphore, #tpu.memory_space<semaphore_mem>>)
      %mul3A_134 = arith.constant 8 : i32
      %mul3A_135 = arith.muli %add3A_56, %mul3A_134 : i32
      %add3A_136 = arith.constant 5 : i32
      %add3A_137 = arith.addi %mul3A_135, %add3A_136 : i32
      %dma_start3A_138 = arith.constant 640 : i32
      %dma_start3A_139 = arith.constant 0 : i32
      %dma_start3A_140 = tpu.memref_slice %arg6[%rem3A_58, %dma_start3A_138, %dma_start3A_139] : memref<2x1024x32xf32, #tpu.memory_space<vmem>> -> memref<1x128x32xf32, #tpu.memory_space<vmem>>
      %dma_start3A_141 = tpu.memref_squeeze %dma_start3A_140 : memref<1x128x32xf32, #tpu.memory_space<vmem>> -> memref<128x32xf32, #tpu.memory_space<vmem>>
      %dma_start3A_142 = arith.constant 0 : i32
      %dma_start3A_143 = tpu.memref_slice %arg5[%add3A_137, %dma_start3A_142] : memref<104x128xi32, #tpu.memory_space<vmem>> -> memref<1x128xi32, #tpu.memory_space<vmem>>
      %dma_start3A_144 = tpu.memref_squeeze %dma_start3A_143 : memref<1x128xi32, #tpu.memory_space<vmem>> -> memref<128xi32, #tpu.memory_space<vmem>>
      %dma_start3A_145 = arith.constant 0 : i32
      %dma_start3A_146 = arith.constant 0 : i32
      %dma_start3A_147 = tpu.memref_slice %arg3[%dma_start3A_145, %dma_start3A_146] : memref<1000000x32xf32, #tpu.memory_space<hbm>> -> memref<1000000x32xf32, #tpu.memory_space<hbm>>
      tpu.enqueue_indirect_dma source(%dma_start3A_147 : memref<1000000x32xf32, #tpu.memory_space<hbm>>) target(%dma_start3A_141 : memref<128x32xf32, #tpu.memory_space<vmem>>) offsets(%dma_start3A_144 : memref<128xi32, #tpu.memory_space<vmem>>) semaphore(%arg7 : memref<!tpu.dma_semaphore, #tpu.memory_space<semaphore_mem>>)
      %mul3A_148 = arith.constant 8 : i32
      %mul3A_149 = arith.muli %add3A_56, %mul3A_148 : i32
      %add3A_150 = arith.constant 6 : i32
      %add3A_151 = arith.addi %mul3A_149, %add3A_150 : i32
      %dma_start3A_152 = arith.constant 768 : i32
      %dma_start3A_153 = arith.constant 0 : i32
      %dma_start3A_154 = tpu.memref_slice %arg6[%rem3A_58, %dma_start3A_152, %dma_start3A_153] : memref<2x1024x32xf32, #tpu.memory_space<vmem>> -> memref<1x128x32xf32, #tpu.memory_space<vmem>>
      %dma_start3A_155 = tpu.memref_squeeze %dma_start3A_154 : memref<1x128x32xf32, #tpu.memory_space<vmem>> -> memref<128x32xf32, #tpu.memory_space<vmem>>
      %dma_start3A_156 = arith.constant 0 : i32
      %dma_start3A_157 = tpu.memref_slice %arg5[%add3A_151, %dma_start3A_156] : memref<104x128xi32, #tpu.memory_space<vmem>> -> memref<1x128xi32, #tpu.memory_space<vmem>>
      %dma_start3A_158 = tpu.memref_squeeze %dma_start3A_157 : memref<1x128xi32, #tpu.memory_space<vmem>> -> memref<128xi32, #tpu.memory_space<vmem>>
      %dma_start3A_159 = arith.constant 0 : i32
      %dma_start3A_160 = arith.constant 0 : i32
      %dma_start3A_161 = tpu.memref_slice %arg3[%dma_start3A_159, %dma_start3A_160] : memref<1000000x32xf32, #tpu.memory_space<hbm>> -> memref<1000000x32xf32, #tpu.memory_space<hbm>>
      tpu.enqueue_indirect_dma source(%dma_start3A_161 : memref<1000000x32xf32, #tpu.memory_space<hbm>>) target(%dma_start3A_155 : memref<128x32xf32, #tpu.memory_space<vmem>>) offsets(%dma_start3A_158 : memref<128xi32, #tpu.memory_space<vmem>>) semaphore(%arg7 : memref<!tpu.dma_semaphore, #tpu.memory_space<semaphore_mem>>)
      %mul3A_162 = arith.constant 8 : i32
      %mul3A_163 = arith.muli %add3A_56, %mul3A_162 : i32
      %add3A_164 = arith.constant 7 : i32
      %add3A_165 = arith.addi %mul3A_163, %add3A_164 : i32
      %dma_start3A_166 = arith.constant 896 : i32
      %dma_start3A_167 = arith.constant 0 : i32
      %dma_start3A_168 = tpu.memref_slice %arg6[%rem3A_58, %dma_start3A_166, %dma_start3A_167] : memref<2x1024x32xf32, #tpu.memory_space<vmem>> -> memref<1x128x32xf32, #tpu.memory_space<vmem>>
      %dma_start3A_169 = tpu.memref_squeeze %dma_start3A_168 : memref<1x128x32xf32, #tpu.memory_space<vmem>> -> memref<128x32xf32, #tpu.memory_space<vmem>>
      %dma_start3A_170 = arith.constant 0 : i32
      %dma_start3A_171 = tpu.memref_slice %arg5[%add3A_165, %dma_start3A_170] : memref<104x128xi32, #tpu.memory_space<vmem>> -> memref<1x128xi32, #tpu.memory_space<vmem>>
      %dma_start3A_172 = tpu.memref_squeeze %dma_start3A_171 : memref<1x128xi32, #tpu.memory_space<vmem>> -> memref<128xi32, #tpu.memory_space<vmem>>
      %dma_start3A_173 = arith.constant 0 : i32
      %dma_start3A_174 = arith.constant 0 : i32
      %dma_start3A_175 = tpu.memref_slice %arg3[%dma_start3A_173, %dma_start3A_174] : memref<1000000x32xf32, #tpu.memory_space<hbm>> -> memref<1000000x32xf32, #tpu.memory_space<hbm>>
      tpu.enqueue_indirect_dma source(%dma_start3A_175 : memref<1000000x32xf32, #tpu.memory_space<hbm>>) target(%dma_start3A_169 : memref<128x32xf32, #tpu.memory_space<vmem>>) offsets(%dma_start3A_172 : memref<128xi32, #tpu.memory_space<vmem>>) semaphore(%arg7 : memref<!tpu.dma_semaphore, #tpu.memory_space<semaphore_mem>>)
      %dma_wait3A_176 = arith.constant 0 : i32
      %dma_wait3A_177 = arith.constant 0 : i32
      %dma_wait3A_178 = tpu.memref_slice %arg6[%rem3A_58, %dma_wait3A_176, %dma_wait3A_177] : memref<2x1024x32xf32, #tpu.memory_space<vmem>> -> memref<1x128x32xf32, #tpu.memory_space<vmem>>
      %dma_wait3A_179 = tpu.memref_squeeze %dma_wait3A_178 : memref<1x128x32xf32, #tpu.memory_space<vmem>> -> memref<128x32xf32, #tpu.memory_space<vmem>>
      %dma_wait3A_180 = arith.constant 0 : i32
      %dma_wait3A_181 = tpu.memref_slice %arg5[%add3A_68, %dma_wait3A_180] : memref<104x128xi32, #tpu.memory_space<vmem>> -> memref<1x128xi32, #tpu.memory_space<vmem>>
      %dma_wait3A_182 = tpu.memref_squeeze %dma_wait3A_181 : memref<1x128xi32, #tpu.memory_space<vmem>> -> memref<128xi32, #tpu.memory_space<vmem>>
      %dma_wait3A_183 = arith.constant 0 : i32
      %dma_wait3A_184 = arith.constant 0 : i32
      %dma_wait3A_185 = tpu.memref_slice %arg3[%dma_wait3A_183, %dma_wait3A_184] : memref<1000000x32xf32, #tpu.memory_space<hbm>> -> memref<1000000x32xf32, #tpu.memory_space<hbm>>
      tpu.wait_indirect_dma semaphore(%arg7 : memref<!tpu.dma_semaphore, #tpu.memory_space<semaphore_mem>>) src(%dma_wait3A_185 : memref<1000000x32xf32, #tpu.memory_space<hbm>>) dst(%dma_wait3A_179 : memref<128x32xf32, #tpu.memory_space<vmem>>)
      %dma_wait3A_186 = arith.constant 128 : i32
      %dma_wait3A_187 = arith.constant 0 : i32
      %dma_wait3A_188 = tpu.memref_slice %arg6[%rem3A_58, %dma_wait3A_186, %dma_wait3A_187] : memref<2x1024x32xf32, #tpu.memory_space<vmem>> -> memref<1x128x32xf32, #tpu.memory_space<vmem>>
      %dma_wait3A_189 = tpu.memref_squeeze %dma_wait3A_188 : memref<1x128x32xf32, #tpu.memory_space<vmem>> -> memref<128x32xf32, #tpu.memory_space<vmem>>
      %dma_wait3A_190 = arith.constant 0 : i32
      %dma_wait3A_191 = tpu.memref_slice %arg5[%add3A_81, %dma_wait3A_190] : memref<104x128xi32, #tpu.memory_space<vmem>> -> memref<1x128xi32, #tpu.memory_space<vmem>>
      %dma_wait3A_192 = tpu.memref_squeeze %dma_wait3A_191 : memref<1x128xi32, #tpu.memory_space<vmem>> -> memref<128xi32, #tpu.memory_space<vmem>>
      %dma_wait3A_193 = arith.constant 0 : i32
      %dma_wait3A_194 = arith.constant 0 : i32
      %dma_wait3A_195 = tpu.memref_slice %arg3[%dma_wait3A_193, %dma_wait3A_194] : memref<1000000x32xf32, #tpu.memory_space<hbm>> -> memref<1000000x32xf32, #tpu.memory_space<hbm>>
      tpu.wait_indirect_dma semaphore(%arg7 : memref<!tpu.dma_semaphore, #tpu.memory_space<semaphore_mem>>) src(%dma_wait3A_195 : memref<1000000x32xf32, #tpu.memory_space<hbm>>) dst(%dma_wait3A_189 : memref<128x32xf32, #tpu.memory_space<vmem>>)
      %dma_wait3A_196 = arith.constant 256 : i32
      %dma_wait3A_197 = arith.constant 0 : i32
      %dma_wait3A_198 = tpu.memref_slice %arg6[%rem3A_58, %dma_wait3A_196, %dma_wait3A_197] : memref<2x1024x32xf32, #tpu.memory_space<vmem>> -> memref<1x128x32xf32, #tpu.memory_space<vmem>>
      %dma_wait3A_199 = tpu.memref_squeeze %dma_wait3A_198 : memref<1x128x32xf32, #tpu.memory_space<vmem>> -> memref<128x32xf32, #tpu.memory_space<vmem>>
      %dma_wait3A_200 = arith.constant 0 : i32
      %dma_wait3A_201 = tpu.memref_slice %arg5[%add3A_95, %dma_wait3A_200] : memref<104x128xi32, #tpu.memory_space<vmem>> -> memref<1x128xi32, #tpu.memory_space<vmem>>
      %dma_wait3A_202 = tpu.memref_squeeze %dma_wait3A_201 : memref<1x128xi32, #tpu.memory_space<vmem>> -> memref<128xi32, #tpu.memory_space<vmem>>
      %dma_wait3A_203 = arith.constant 0 : i32
      %dma_wait3A_204 = arith.constant 0 : i32
      %dma_wait3A_205 = tpu.memref_slice %arg3[%dma_wait3A_203, %dma_wait3A_204] : memref<1000000x32xf32, #tpu.memory_space<hbm>> -> memref<1000000x32xf32, #tpu.memory_space<hbm>>
      tpu.wait_indirect_dma semaphore(%arg7 : memref<!tpu.dma_semaphore, #tpu.memory_space<semaphore_mem>>) src(%dma_wait3A_205 : memref<1000000x32xf32, #tpu.memory_space<hbm>>) dst(%dma_wait3A_199 : memref<128x32xf32, #tpu.memory_space<vmem>>)
      %dma_wait3A_206 = arith.constant 384 : i32
      %dma_wait3A_207 = arith.constant 0 : i32
      %dma_wait3A_208 = tpu.memref_slice %arg6[%rem3A_58, %dma_wait3A_206, %dma_wait3A_207] : memref<2x1024x32xf32, #tpu.memory_space<vmem>> -> memref<1x128x32xf32, #tpu.memory_space<vmem>>
      %dma_wait3A_209 = tpu.memref_squeeze %dma_wait3A_208 : memref<1x128x32xf32, #tpu.memory_space<vmem>> -> memref<128x32xf32, #tpu.memory_space<vmem>>
      %dma_wait3A_210 = arith.constant 0 : i32
      %dma_wait3A_211 = tpu.memref_slice %arg5[%add3A_109, %dma_wait3A_210] : memref<104x128xi32, #tpu.memory_space<vmem>> -> memref<1x128xi32, #tpu.memory_space<vmem>>
      %dma_wait3A_212 = tpu.memref_squeeze %dma_wait3A_211 : memref<1x128xi32, #tpu.memory_space<vmem>> -> memref<128xi32, #tpu.memory_space<vmem>>
      %dma_wait3A_213 = arith.constant 0 : i32
      %dma_wait3A_214 = arith.constant 0 : i32
      %dma_wait3A_215 = tpu.memref_slice %arg3[%dma_wait3A_213, %dma_wait3A_214] : memref<1000000x32xf32, #tpu.memory_space<hbm>> -> memref<1000000x32xf32, #tpu.memory_space<hbm>>
      tpu.wait_indirect_dma semaphore(%arg7 : memref<!tpu.dma_semaphore, #tpu.memory_space<semaphore_mem>>) src(%dma_wait3A_215 : memref<1000000x32xf32, #tpu.memory_space<hbm>>) dst(%dma_wait3A_209 : memref<128x32xf32, #tpu.memory_space<vmem>>)
      %dma_wait3A_216 = arith.constant 512 : i32
      %dma_wait3A_217 = arith.constant 0 : i32
      %dma_wait3A_218 = tpu.memref_slice %arg6[%rem3A_58, %dma_wait3A_216, %dma_wait3A_217] : memref<2x1024x32xf32, #tpu.memory_space<vmem>> -> memref<1x128x32xf32, #tpu.memory_space<vmem>>
      %dma_wait3A_219 = tpu.memref_squeeze %dma_wait3A_218 : memref<1x128x32xf32, #tpu.memory_space<vmem>> -> memref<128x32xf32, #tpu.memory_space<vmem>>
      %dma_wait3A_220 = arith.constant 0 : i32
      %dma_wait3A_221 = tpu.memref_slice %arg5[%add3A_123, %dma_wait3A_220] : memref<104x128xi32, #tpu.memory_space<vmem>> -> memref<1x128xi32, #tpu.memory_space<vmem>>
      %dma_wait3A_222 = tpu.memref_squeeze %dma_wait3A_221 : memref<1x128xi32, #tpu.memory_space<vmem>> -> memref<128xi32, #tpu.memory_space<vmem>>
      %dma_wait3A_223 = arith.constant 0 : i32
      %dma_wait3A_224 = arith.constant 0 : i32
      %dma_wait3A_225 = tpu.memref_slice %arg3[%dma_wait3A_223, %dma_wait3A_224] : memref<1000000x32xf32, #tpu.memory_space<hbm>> -> memref<1000000x32xf32, #tpu.memory_space<hbm>>
      tpu.wait_indirect_dma semaphore(%arg7 : memref<!tpu.dma_semaphore, #tpu.memory_space<semaphore_mem>>) src(%dma_wait3A_225 : memref<1000000x32xf32, #tpu.memory_space<hbm>>) dst(%dma_wait3A_219 : memref<128x32xf32, #tpu.memory_space<vmem>>)
      %dma_wait3A_226 = arith.constant 640 : i32
      %dma_wait3A_227 = arith.constant 0 : i32
      %dma_wait3A_228 = tpu.memref_slice %arg6[%rem3A_58, %dma_wait3A_226, %dma_wait3A_227] : memref<2x1024x32xf32, #tpu.memory_space<vmem>> -> memref<1x128x32xf32, #tpu.memory_space<vmem>>
      %dma_wait3A_229 = tpu.memref_squeeze %dma_wait3A_228 : memref<1x128x32xf32, #tpu.memory_space<vmem>> -> memref<128x32xf32, #tpu.memory_space<vmem>>
      %dma_wait3A_230 = arith.constant 0 : i32
      %dma_wait3A_231 = tpu.memref_slice %arg5[%add3A_137, %dma_wait3A_230] : memref<104x128xi32, #tpu.memory_space<vmem>> -> memref<1x128xi32, #tpu.memory_space<vmem>>
      %dma_wait3A_232 = tpu.memref_squeeze %dma_wait3A_231 : memref<1x128xi32, #tpu.memory_space<vmem>> -> memref<128xi32, #tpu.memory_space<vmem>>
      %dma_wait3A_233 = arith.constant 0 : i32
      %dma_wait3A_234 = arith.constant 0 : i32
      %dma_wait3A_235 = tpu.memref_slice %arg3[%dma_wait3A_233, %dma_wait3A_234] : memref<1000000x32xf32, #tpu.memory_space<hbm>> -> memref<1000000x32xf32, #tpu.memory_space<hbm>>
      tpu.wait_indirect_dma semaphore(%arg7 : memref<!tpu.dma_semaphore, #tpu.memory_space<semaphore_mem>>) src(%dma_wait3A_235 : memref<1000000x32xf32, #tpu.memory_space<hbm>>) dst(%dma_wait3A_229 : memref<128x32xf32, #tpu.memory_space<vmem>>)
      %dma_wait3A_236 = arith.constant 768 : i32
      %dma_wait3A_237 = arith.constant 0 : i32
      %dma_wait3A_238 = tpu.memref_slice %arg6[%rem3A_58, %dma_wait3A_236, %dma_wait3A_237] : memref<2x1024x32xf32, #tpu.memory_space<vmem>> -> memref<1x128x32xf32, #tpu.memory_space<vmem>>
      %dma_wait3A_239 = tpu.memref_squeeze %dma_wait3A_238 : memref<1x128x32xf32, #tpu.memory_space<vmem>> -> memref<128x32xf32, #tpu.memory_space<vmem>>
      %dma_wait3A_240 = arith.constant 0 : i32
      %dma_wait3A_241 = tpu.memref_slice %arg5[%add3A_151, %dma_wait3A_240] : memref<104x128xi32, #tpu.memory_space<vmem>> -> memref<1x128xi32, #tpu.memory_space<vmem>>
      %dma_wait3A_242 = tpu.memref_squeeze %dma_wait3A_241 : memref<1x128xi32, #tpu.memory_space<vmem>> -> memref<128xi32, #tpu.memory_space<vmem>>
      %dma_wait3A_243 = arith.constant 0 : i32
      %dma_wait3A_244 = arith.constant 0 : i32
      %dma_wait3A_245 = tpu.memref_slice %arg3[%dma_wait3A_243, %dma_wait3A_244] : memref<1000000x32xf32, #tpu.memory_space<hbm>> -> memref<1000000x32xf32, #tpu.memory_space<hbm>>
      tpu.wait_indirect_dma semaphore(%arg7 : memref<!tpu.dma_semaphore, #tpu.memory_space<semaphore_mem>>) src(%dma_wait3A_245 : memref<1000000x32xf32, #tpu.memory_space<hbm>>) dst(%dma_wait3A_239 : memref<128x32xf32, #tpu.memory_space<vmem>>)
      %dma_wait3A_246 = arith.constant 896 : i32
      %dma_wait3A_247 = arith.constant 0 : i32
      %dma_wait3A_248 = tpu.memref_slice %arg6[%rem3A_58, %dma_wait3A_246, %dma_wait3A_247] : memref<2x1024x32xf32, #tpu.memory_space<vmem>> -> memref<1x128x32xf32, #tpu.memory_space<vmem>>
      %dma_wait3A_249 = tpu.memref_squeeze %dma_wait3A_248 : memref<1x128x32xf32, #tpu.memory_space<vmem>> -> memref<128x32xf32, #tpu.memory_space<vmem>>
      %dma_wait3A_250 = arith.constant 0 : i32
      %dma_wait3A_251 = tpu.memref_slice %arg5[%add3A_165, %dma_wait3A_250] : memref<104x128xi32, #tpu.memory_space<vmem>> -> memref<1x128xi32, #tpu.memory_space<vmem>>
      %dma_wait3A_252 = tpu.memref_squeeze %dma_wait3A_251 : memref<1x128xi32, #tpu.memory_space<vmem>> -> memref<128xi32, #tpu.memory_space<vmem>>
      %dma_wait3A_253 = arith.constant 0 : i32
      %dma_wait3A_254 = arith.constant 0 : i32
      %dma_wait3A_255 = tpu.memref_slice %arg3[%dma_wait3A_253, %dma_wait3A_254] : memref<1000000x32xf32, #tpu.memory_space<hbm>> -> memref<1000000x32xf32, #tpu.memory_space<hbm>>
      tpu.wait_indirect_dma semaphore(%arg7 : memref<!tpu.dma_semaphore, #tpu.memory_space<semaphore_mem>>) src(%dma_wait3A_255 : memref<1000000x32xf32, #tpu.memory_space<hbm>>) dst(%dma_wait3A_249 : memref<128x32xf32, #tpu.memory_space<vmem>>)
      %eq3A = arith.constant 0 : i32
      %eq3A_256 = arith.cmpi eq, %rem3A_58, %eq3A : i32
      %convert_element_type3A_257 = arith.extui %eq3A_256 : i1 to i32
      %cond3A_258 = arith.constant 0 : i32
      %cond3A_259 = arith.cmpi ne, %convert_element_type3A_257, %cond3A_258 : i32
      scf.if %cond3A_259 {
        %dma_start3A_265 = arith.constant 0 : i32
        %dma_start3A_266 = arith.constant 0 : i32
        %dma_start3A_267 = arith.constant 0 : i32
        %dma_start3A_268 = tpu.memref_slice %arg6[%dma_start3A_265, %dma_start3A_266, %dma_start3A_267] : memref<2x1024x32xf32, #tpu.memory_space<vmem>> -> memref<1x1024x32xf32, #tpu.memory_space<vmem>>
        %dma_start3A_269 = tpu.memref_squeeze %dma_start3A_268 : memref<1x1024x32xf32, #tpu.memory_space<vmem>> -> memref<1024x32xf32, #tpu.memory_space<vmem>>
        %dma_start3A_270 = arith.constant 0 : i32
        %dma_start3A_271 = tpu.memref_slice %arg4[%multiple_of3A_62, %dma_start3A_270] : memref<425984x32xf32, #tpu.memory_space<hbm>> -> memref<1024x32xf32, #tpu.memory_space<hbm>>
        %dma_start3A_272 = arith.constant 0 : i32
        %dma_start3A_273 = tpu.memref_slice %arg4[%multiple_of3A_62, %dma_start3A_272] : memref<425984x32xf32, #tpu.memory_space<hbm>> -> memref<1024x32xf32, #tpu.memory_space<hbm>>
        %dma_start3A_274 = arith.constant 0 : i32
        %dma_start3A_275 = arith.constant 0 : i32
        %dma_start3A_276 = tpu.memref_slice %arg6[%dma_start3A_265, %dma_start3A_274, %dma_start3A_275] : memref<2x1024x32xf32, #tpu.memory_space<vmem>> -> memref<1x1024x32xf32, #tpu.memory_space<vmem>>
        %dma_start3A_277 = tpu.memref_squeeze %dma_start3A_276 : memref<1x1024x32xf32, #tpu.memory_space<vmem>> -> memref<1024x32xf32, #tpu.memory_space<vmem>>
        tpu.enqueue_dma source(%dma_start3A_277 : memref<1024x32xf32, #tpu.memory_space<vmem>>) target(%dma_start3A_273 : memref<1024x32xf32, #tpu.memory_space<hbm>>) target_semaphore(%arg8 : memref<!tpu.dma_semaphore, #tpu.memory_space<semaphore_mem>>)
      } else {
      }
      %eq3A_260 = arith.constant 1 : i32
      %eq3A_261 = arith.cmpi eq, %rem3A_58, %eq3A_260 : i32
      %convert_element_type3A_262 = arith.extui %eq3A_261 : i1 to i32
      %cond3A_263 = arith.constant 0 : i32
      %cond3A_264 = arith.cmpi ne, %convert_element_type3A_262, %cond3A_263 : i32
      scf.if %cond3A_264 {
        %dma_start3A_265 = arith.constant 1 : i32
        %dma_start3A_266 = arith.constant 0 : i32
        %dma_start3A_267 = arith.constant 0 : i32
        %dma_start3A_268 = tpu.memref_slice %arg6[%dma_start3A_265, %dma_start3A_266, %dma_start3A_267] : memref<2x1024x32xf32, #tpu.memory_space<vmem>> -> memref<1x1024x32xf32, #tpu.memory_space<vmem>>
        %dma_start3A_269 = tpu.memref_squeeze %dma_start3A_268 : memref<1x1024x32xf32, #tpu.memory_space<vmem>> -> memref<1024x32xf32, #tpu.memory_space<vmem>>
        %dma_start3A_270 = arith.constant 0 : i32
        %dma_start3A_271 = tpu.memref_slice %arg4[%multiple_of3A_62, %dma_start3A_270] : memref<425984x32xf32, #tpu.memory_space<hbm>> -> memref<1024x32xf32, #tpu.memory_space<hbm>>
        %dma_start3A_272 = arith.constant 0 : i32
        %dma_start3A_273 = tpu.memref_slice %arg4[%multiple_of3A_62, %dma_start3A_272] : memref<425984x32xf32, #tpu.memory_space<hbm>> -> memref<1024x32xf32, #tpu.memory_space<hbm>>
        %dma_start3A_274 = arith.constant 0 : i32
        %dma_start3A_275 = arith.constant 0 : i32
        %dma_start3A_276 = tpu.memref_slice %arg6[%dma_start3A_265, %dma_start3A_274, %dma_start3A_275] : memref<2x1024x32xf32, #tpu.memory_space<vmem>> -> memref<1x1024x32xf32, #tpu.memory_space<vmem>>
        %dma_start3A_277 = tpu.memref_squeeze %dma_start3A_276 : memref<1x1024x32xf32, #tpu.memory_space<vmem>> -> memref<1024x32xf32, #tpu.memory_space<vmem>>
        tpu.enqueue_dma source(%dma_start3A_277 : memref<1024x32xf32, #tpu.memory_space<vmem>>) target(%dma_start3A_273 : memref<1024x32xf32, #tpu.memory_space<hbm>>) target_semaphore(%arg9 : memref<!tpu.dma_semaphore, #tpu.memory_space<semaphore_mem>>)
      } else {
      }
    }
    %scan3A_22 = arith.constant 13 : i32
    %dma_wait3A = arith.constant 0 : i32
    %dma_wait3A_23 = arith.constant 0 : i32
    %dma_wait3A_24 = arith.constant 0 : i32
    %dma_wait3A_25 = tpu.memref_slice %arg6[%dma_wait3A, %dma_wait3A_23, %dma_wait3A_24] : memref<2x1024x32xf32, #tpu.memory_space<vmem>> -> memref<1x1024x32xf32, #tpu.memory_space<vmem>>
    %dma_wait3A_26 = tpu.memref_squeeze %dma_wait3A_25 : memref<1x1024x32xf32, #tpu.memory_space<vmem>> -> memref<1024x32xf32, #tpu.memory_space<vmem>>
    %dma_wait3A_27 = arith.constant 0 : i32
    %dma_wait3A_28 = arith.constant 0 : i32
    %dma_wait3A_29 = tpu.memref_slice %arg4[%dma_wait3A_27, %dma_wait3A_28] : memref<425984x32xf32, #tpu.memory_space<hbm>> -> memref<1024x32xf32, #tpu.memory_space<hbm>>
    %dma_wait3A_30 = arith.constant 0 : i32
    %dma_wait3A_31 = arith.constant 0 : i32
    %dma_wait3A_32 = tpu.memref_slice %arg6[%dma_wait3A, %dma_wait3A_30, %dma_wait3A_31] : memref<2x1024x32xf32, #tpu.memory_space<vmem>> -> memref<1x1024x32xf32, #tpu.memory_space<vmem>>
    %dma_wait3A_33 = tpu.memref_squeeze %dma_wait3A_32 : memref<1x1024x32xf32, #tpu.memory_space<vmem>> -> memref<1024x32xf32, #tpu.memory_space<vmem>>
    %dma_wait3A_34 = arith.constant 0 : i32
    %dma_wait3A_35 = arith.constant 0 : i32
    %dma_wait3A_36 = tpu.memref_slice %arg4[%dma_wait3A_34, %dma_wait3A_35] : memref<425984x32xf32, #tpu.memory_space<hbm>> -> memref<1024x32xf32, #tpu.memory_space<hbm>>
    tpu.wait_dma2 semaphore(%arg8 : memref<!tpu.dma_semaphore, #tpu.memory_space<semaphore_mem>>) src(%dma_wait3A_36 : memref<1024x32xf32, #tpu.memory_space<hbm>>) dst(%dma_wait3A_33 : memref<1024x32xf32, #tpu.memory_space<vmem>>)
    %dma_wait3A_37 = arith.constant 1 : i32
    %dma_wait3A_38 = arith.constant 0 : i32
    %dma_wait3A_39 = arith.constant 0 : i32
    %dma_wait3A_40 = tpu.memref_slice %arg6[%dma_wait3A_37, %dma_wait3A_38, %dma_wait3A_39] : memref<2x1024x32xf32, #tpu.memory_space<vmem>> -> memref<1x1024x32xf32, #tpu.memory_space<vmem>>
    %dma_wait3A_41 = tpu.memref_squeeze %dma_wait3A_40 : memref<1x1024x32xf32, #tpu.memory_space<vmem>> -> memref<1024x32xf32, #tpu.memory_space<vmem>>
    %dma_wait3A_42 = arith.constant 0 : i32
    %dma_wait3A_43 = arith.constant 0 : i32
    %dma_wait3A_44 = tpu.memref_slice %arg4[%dma_wait3A_42, %dma_wait3A_43] : memref<425984x32xf32, #tpu.memory_space<hbm>> -> memref<1024x32xf32, #tpu.memory_space<hbm>>
    %dma_wait3A_45 = arith.constant 0 : i32
    %dma_wait3A_46 = arith.constant 0 : i32
    %dma_wait3A_47 = tpu.memref_slice %arg6[%dma_wait3A_37, %dma_wait3A_45, %dma_wait3A_46] : memref<2x1024x32xf32, #tpu.memory_space<vmem>> -> memref<1x1024x32xf32, #tpu.memory_space<vmem>>
    %dma_wait3A_48 = tpu.memref_squeeze %dma_wait3A_47 : memref<1x1024x32xf32, #tpu.memory_space<vmem>> -> memref<1024x32xf32, #tpu.memory_space<vmem>>
    %dma_wait3A_49 = arith.constant 0 : i32
    %dma_wait3A_50 = arith.constant 0 : i32
    %dma_wait3A_51 = tpu.memref_slice %arg4[%dma_wait3A_49, %dma_wait3A_50] : memref<425984x32xf32, #tpu.memory_space<hbm>> -> memref<1024x32xf32, #tpu.memory_space<hbm>>
    tpu.wait_dma2 semaphore(%arg9 : memref<!tpu.dma_semaphore, #tpu.memory_space<semaphore_mem>>) src(%dma_wait3A_51 : memref<1024x32xf32, #tpu.memory_space<hbm>>) dst(%dma_wait3A_48 : memref<1024x32xf32, #tpu.memory_space<vmem>>)
    return
  }
}

</mosaic_0001>

<sc_bundles>
// kernel: kernel.3.cloned.1.call-start
scs
__scs_entry_jumppad:
0x0: {  	(pc) =	sbr.rel $0x88, $3  }
0x1: {  	(tag) =	ssettag $0x0;
	lr =	simm.s32 $0x1  }
0x2: {  	[smem:$0x3F9F] =	sst lr;
	_ =	strace $0xD0000000  }
0x3: {  	_ = 	snop  }
0x4: {  	_ = 	snop  }
0x5: {  	_ = 	snop  }
0x6: {  	_ = 	snop  }
0x7: {  	_ = 	snop  }
__scs_overlays_trampoline_lowered:
0x8: {  	[smem:$0x3FAE] =	sst s0  }
0x9: {  	[smem:$0x3FAF] =	sst s1  }
0xa: {  	[smem:$0x3FB0] =	sst s2  }
0xb: {  	[smem:$0x3FB1] =	sst s3  }
0xc: {  	[smem:$0x3FB2] =	sst s4  }
0xd: {  	[smem:$0x3FB3] =	sst s5  }
0xe: {  	[smem:$0x3FB4] =	sst s6  }
0xf: {  	[smem:$0x3FB5] =	sst s7  }
0x10: {  	[smem:$0x3FB6] =	sst s8  }
0x11: {  	[smem:$0x3FB7] =	sst s9;
	s0 =	simm.s32 @!p0 $0x0  }
0x12: {  	s1 =	sld [smem:$0x3F9D];
	s0 =	simm.s32 @p0 $0x1  }
0x13: {  	[smem:$0x3FB8] =	sst s0;
	s0 =	simm.s32 @!p1 $0x0  }
0x14: {  	s2 =	sld [smem:$0x3F9C];
	s0 =	simm.s32 @p1 $0x1  }
0x15: {  	[smem:$0x3FB9] =	sst s0;
	s0 =	simm.s32 @!p2 $0x0  }
0x16: {  	s3 =	sld [smem:$0x3FDB];
	s0 =	simm.s32 @p2 $0x1  }
0x17: {  	s4 =	simm.s32 $0x1BF5;
	[smem:$0x3FBB] =	sst s0  }
0x18: {  	s0 =	sld [smem:$0x3F9E];
	_ =	swait.ge [sflag:s4], $0x0  }
0x19: {  	s7 =	sld [smem:$0x3F9F]  }
0x1a: {  	s8 =	sadd.s32 $0xFFFFE003, lr  }
0x1b: {  	s9 =	sadd.s32 $0xFFFFFEF7, lr;
	s5 =	simm.s32 $0xFFFFFFFF;
	p2 =	slt.u32 s8, $0xFFFFF086  }
0x1c: {  	p1 =	slt.u32 s9, $0xF7A;
	s5 =	simm.s32 @!p2 $0x0  }
0x1d: {  	s5 =	simm.s32 @p1 $0x1;
	p0 =	seq.s32 s7, s2  }
0x1e: {  	s7 =	smul.u32 @!p0 $0xF7A, s2;
	p2 =	seq.s32 @!p0 s5, $0x0  }
0x1f: {  	s9 =	smul.u32 $0xF7A, s1;
	s8 =	simm.s32 @!p0 $0x1BF5;
	p2 =	por !p2, p0  }
0x20: {  	[sflag:s8] =	ssyncset.s32 @!p0 $0xFFFFF086;
	s6 =	sadd.s32 @!p0 s3, s7;
	s7 =	simm.s32 @!p0 $0x108  }
0x21: {  	s3 =	sadd.s32 s3, s9;
	s6 =	sadd.s32 @!p0 $0x88, s6;
	s7 =	simm.s32 @p2 $0x1082  }
0x22: {  	[simem:s7], [sflag:s8] =	dma.local @!p0 [hbm:s6], $0xF7A  }
0x23: {  	s9 =	sor.u32 $0xD0000000, s2;
	s6 =	simm.s32 $0x108;
	_ =	swait.ge @!p0 [sflag:s8], $0x0  }
0x24: {  	s3 =	sadd.s32 $0x88, s3;
	s6 =	simm.s32 @!p1 $0x1082;
	[sflag:s4] =	ssyncset.s32 $0xFFFFF086  }
0x25: {  	[simem:s6], [sflag:s4] =	dma.local [hbm:s3], $0xF7A  }
0x26: {  	[smem:$0x3F9F] =	sst s1;
	(tag) =	ssettag s2;
	_ =	strace s9  }
0x27: {  	s1 =	sld [smem:$0x3FAF]  }
0x28: {  	s2 =	sld [smem:$0x3FB0]  }
0x29: {  	s4 =	sld [smem:$0x3FB2]  }
0x2a: {  	p0 =	seq.s32 s5, $0x0;
	s5 =	sld [smem:$0x3FB3]  }
0x2b: {  	s6 =	sld [smem:$0x3FB4]  }
0x2c: {  	s7 =	sld [smem:$0x3FB5]  }
0x2d: {  	s3 =	simm.s32 $0x108;
	s8 =	sld [smem:$0x3FB6]  }
0x2e: {  	s3 =	simm.s32 @!p0 $0x1082;
	s9 =	sld [smem:$0x3FB7]  }
0x2f: {  	lr =	sadd.s32 s0, s3;
	s0 =	sld [smem:$0x3FAE]  }
0x30: {  	s3 =	sld [smem:$0x3FB1]  }
0x31: {  	[smem:$0x3FBA] =	sst s10  }
0x32: {  	s10 =	sld [smem:$0x3FB8];
	_ =	sdelay $0x3  }
0x33: {  	p0 =	seq.s32 s10, $0x1;
	s10 =	sld [smem:$0x3FBA];
	_ =	sdelay $0x3  }
0x34: {  	[smem:$0x3FBA] =	sst s10  }
0x35: {  	s10 =	sld [smem:$0x3FB9];
	_ =	sdelay $0x3  }
0x36: {  	p1 =	seq.s32 s10, $0x1;
	s10 =	sld [smem:$0x3FBA];
	_ =	sdelay $0x3  }
0x37: {  	[smem:$0x3FBA] =	sst s10  }
0x38: {  	s10 =	sld [smem:$0x3FBB]  }
0x39: {  	_ = 	snop;
	(pc) =	sbr.ind lr, $3  }
0x3a: {  	_ = 	snop  }
0x3b: {  	_ = 	snop  }
0x3c: {  	p2 =	seq.s32 s10, $0x1;
	s10 =	sld [smem:$0x3FBA]  }
0x3d: {  	_ =	shalt  }
0x3e: {  	_ =	shalt  }
0x3f: {  	_ =	shalt  }
0x40: {  	_ =	shalt  }
0x41: {  	_ =	shalt  }
0x42: {  	_ =	shalt  }
0x43: {  	_ =	shalt  }
0x44: {  	_ =	shalt  }
0x45: {  	_ =	shalt  }
0x46: {  	_ =	shalt  }
0x47: {  	_ =	shalt  }
0x48: {  	_ =	shalt  }
0x49: {  	_ =	shalt  }
0x4a: {  	_ =	shalt  }
0x4b: {  	_ =	shalt  }
0x4c: {  	_ =	shalt  }
0x4d: {  	_ =	shalt  }
0x4e: {  	_ =	shalt  }
0x4f: {  	_ =	shalt  }
0x50: {  	_ =	shalt  }
0x51: {  	_ =	shalt  }
0x52: {  	_ =	shalt  }
0x53: {  	_ =	shalt  }
0x54: {  	_ =	shalt  }
0x55: {  	_ =	shalt  }
0x56: {  	_ =	shalt  }
0x57: {  	_ =	shalt  }
0x58: {  	_ =	shalt  }
0x59: {  	_ =	shalt  }
0x5a: {  	_ =	shalt  }
0x5b: {  	_ =	shalt  }
0x5c: {  	_ =	shalt  }
0x5d: {  	_ =	shalt  }
0x5e: {  	_ =	shalt  }
0x5f: {  	_ =	shalt  }
0x60: {  	_ =	shalt  }
0x61: {  	_ =	shalt  }
0x62: {  	_ =	shalt  }
0x63: {  	_ =	shalt  }
0x64: {  	_ =	shalt  }
0x65: {  	_ =	shalt  }
0x66: {  	_ =	shalt  }
0x67: {  	_ =	shalt  }
0x68: {  	_ =	shalt  }
0x69: {  	_ =	shalt  }
0x6a: {  	_ =	shalt  }
0x6b: {  	_ =	shalt  }
0x6c: {  	_ =	shalt  }
0x6d: {  	_ =	shalt  }
0x6e: {  	_ =	shalt  }
0x6f: {  	_ =	shalt  }
0x70: {  	_ =	shalt  }
0x71: {  	_ =	shalt  }
0x72: {  	_ =	shalt  }
0x73: {  	_ =	shalt  }
0x74: {  	_ =	shalt  }
0x75: {  	_ =	shalt  }
0x76: {  	_ =	shalt  }
0x77: {  	_ =	shalt  }
0x78: {  	_ =	shalt  }
0x79: {  	_ =	shalt  }
0x7a: {  	_ =	shalt  }
0x7b: {  	_ =	shalt  }
0x7c: {  	_ =	shalt  }
0x7d: {  	_ =	shalt  }
0x7e: {  	_ =	shalt  }
0x7f: {  	_ =	shalt  }
0x80: {  	_ =	shalt  }
0x81: {  	_ =	shalt  }
0x82: {  	_ =	shalt  }
0x83: {  	_ =	shalt  }
0x84: {  	_ =	shalt  }
0x85: {  	_ =	shalt  }
0x86: {  	_ =	shalt  }
0x87: {  	_ =	shalt  }
.Lfunc_end0:
.L_simem_size_0:
called_computation.1_lowered:
.L_overlay_start_0:
0x88: {  	s2 =	sld [smem:$0x3FD9]  }
0x89: {  	s3 =	sld [smem:$0x3FFE];
	_ =	sdelay $0x1  }
0x8a: {  	s1 =	srdreg.scid  }
0x8b: {  	s0 =	sand.u32 $0x1, s1  }
0x8c: {  	s17 =	sshll.u32 s0, $0xA;
	s2 =	sadd.s32 s3, s2  }
0x8d: {  	s2 =	sadd.s32 s2, s17  }
0x8e: {  	[smem:$0x3FC6] =	sst s2  }
0x8f: {  	_ = 	snop  }
0x90: {  	s2 =	sld [smem:$0x3FD0];
	(tm) =	ssettm $0x1  }
0x91: {  	s18 =	sld [smem:$0x3FFB];
	_ =	sdelay $0x3  }
0x92: {  	_ =	strace s18  }
0x93: {  	s3 =	sld [smem:$0x3FFC];
	_ =	sdelay $0x3  }
0x94: {  	_ =	strace s3  }
0x95: {  	s3 =	sld [smem:$0x3FFD];
	_ =	sdelay $0x3  }
0x96: {  	_ =	strace s3  }
0x97: {  	_ =	strace $0x8FFFFFFF  }
0x98: {  	s19 =	sld [smem:$0x3FDB];
	_ =	sdelay $0x1  }
0x99: {  	s4 =	simm.s32 $_scs_section_size  }
0x9a: {  	s5 =	simm.s32 $_size__tile_overlayer_lowered;
	s6 =	simm.s32 $_tile_overlayer_lowered  }
0x9b: {  	s22 =	simm.s32 $0x1BFF;
	s21 =	sshll.u32 s6, $0x1;
	s3 =	sadd.s32 s4, s19  }
0x9c: {  	s7 =	simm.s32 $0x0;
	s20 =	sshll.u32 s5, $0x1;
	s5 =	sadd.s32 s21, s3  }
0x9d: {  	[timem:s7], [sflag:s22] =	dma.local [hbm:s5], s20  }
0x9e: {  	_ =	swait.ge [sflag:s22], s20  }
0x9f: {  	s4 =	ssub.s32 $0x0, s20;
	[sflag:s22] =	ssyncset.done $0x0  }
0xa0: {  	[sflag:s22] =	ssyncadd.s32 s4;
	_ =	sdelay $0x1  }
0xa1: {  	s23 =	simm.s32 $0x1B8B  }
0xa2: {  	_ =	swait.ge [sflag:s23], $0x1  }
0xa3: {  	[sflag:s23] =	ssyncset.done $0x0  }
0xa4: {  	s25 =	simm.s32 $0x1B8E;
	s24 =	sld [smem:$0x3FFE];
	[sflag:s23] =	ssyncadd.s32 $0xFFFFFFFF  }
0xa5: {  	s26 =	simm.s32 $execute0_lowered;
	[smem:$0x3FD2] =	sst s25  }
0xa6: {  	s5 =	sshll.u32 s26, $0x1;
	_ =	strace $0x80000046;
	[dreg:$0x1] =	wrdreg $0xFFFFFFFF  }
0xa7: {  	s28 =	simm.s32 $_size_execute0_lowered;
	s3 =	sadd.s32 s3, s5;
	[dreg:$0x0] =	wrdreg $0x0  }
0xa8: {  	s5 =	sshll.u32 s28, $0x1;
	[dreg:$0x2] =	wrdreg s3  }
0xa9: {  	[dreg:$0x3] =	wrdreg s5  }
0xaa: {  	[dreg:$0x4] =	wrdreg $0xC0  }
0xab: {  	_ =	task [dreg:s7], $0x5FFFF  }
0xac: {  	[dreg:$0x1] =	wrdreg $0xFFFFFFFF  }
0xad: {  	[dreg:$0x0] =	wrdreg $0x60  }
0xae: {  	[dreg:$0x2] =	wrdreg s24  }
0xaf: {  	[dreg:$0x3] =	wrdreg s2  }
0xb0: {  	[dreg:$0x4] =	wrdreg $0x9  }
0xb1: {  	_ =	task.clear_ibuf [dreg:s7], $0x5FFFF;
	_ =	strace $0x90000046  }
0xb2: {  	s29 =	simm.s32 $0x9;
	_ =	strace $0x80000048  }
0xb3: {  	_ =	swait.ge [sflag:s29], $0x1  }
0xb4: {  	[sflag:s29] =	ssyncadd.s32 $0xFFFFFFFF  }
0xb5: {  	_ =	strace $0x90000048  }
0xb6: {  	_ =	sfence  }
0xb7: {  	s30 =	sld [smem:$0x0];
	_ =	sdelay $0x2  }
0xb8: {  	s31 =	sshll.u32 s1, $0xD;
	s1 =	sshrl.u32 s1, $0x2  }
0xb9: {  	s3 =	sand.u32 $0x4000, s31;
	s1 =	sadd.s32 s1, s30  }
0xba: {  	s0 =	sor.u32 s3, s0;
	s1 =	sshll.u32 s1, $0x11  }
0xbb: {  	s0 =	sor.u32 s1, s0  }
0xbc: {  	s0 =	sadd.s32 $0x8F2B, s0  }
0xbd: {  	[sflag:s0] =	ssyncadd.remote.s32 $0x1  }
0xbe: {  	_ =	sfence.sel $0xFFFF  }
0xbf: {  	[dreg:$0x0] =	wrdreg $0xFFFFFFFF;
	(pc) =	sbr.abs _section_cstart, $3  }
0xc0: {  	[dreg:$0x1] =	wrdreg $0xFFFFFFFF  }
0xc1: {  	_ =	task.clear_ibuf [dreg:s7], $0x2FFFF;
	_ =	strace $0x9FFFFFFF  }
0xc2: {  	(tm) =	ssettm $0x7FFFFFFF  }
0xc3: {  	_ =	shalt  }
tec
execute0_lowered:
.L_overlay_start_1:
0x0: {  	(tag) =	ssettag $0x1  }
0x1: {  	s3 =	rddreg [dreg:$0x0];
	s1 =	srdreg.scid  }
0x2: {  	s0 =	stileid.u32;
	s4 =	rddreg [dreg:$0x1];
	s2 =	simm.s32 $0x0  }
0x3: {  	s11 =	simm.s32 $0x3;
	s12 =	simm.s32 $0x0;
	s5 =	sand.u32 $0x1, s1  }
0x4: {  	s6 =	sshll.u32 s0, $0x1;
	s1 =	rddreg [dreg:$0x2];
	s8 =	smul.u32 $0x1A000, s0  }
0x5: {  	[smem:$0x7FF] =	sst s2;
	s6 =	sor.u32 s5, s6;
	s10 =	smul.u32 $0xD000, s5  }
0x6: {  	_ =	strace $0x80000047;
	s7 =	ssub.s32 $0x2, s5;
	s6 =	smul.u32 $0x680, s6  }
0x7: {  	s9 =	sshrl.u32 s7, $0x1;
	s31 =	sadd.s32 s8, s4;
	s8 =	simm.s32 $0x80  }
0x8: {  	s30 =	ssub.s32 s7, s9;
	s7 =	simm.s32 $0x4;
	s9 =	simm.s32 $0x1  }
0x9: {  	s6 =	sadd.s32 s6, s3;
	s3 =	sadd.s32 $0xF42E00, s3;
	s5 =	smax.u32 s30, $0x1  }
0xa: {  	s4 =	sadd.s32 $0xA00, s6;
	s6 =	sadd.s32 s10, s31;
	s10 =	simm.s32 $0x2  }
.LBB2_1:
0xb: {  	[tilespmem:s2], [sflag:$0x4] =	stream.linear.gather [hbm4b:s4+s2], $0x3400, $0x38;
	[tilespmem:$0x13400] =	vst v63  }
0xc: {  	s13 =	sand.u32 $0x1, s2  }
0xd: {  	p1 =	por $0x1, $0x1;
	_ =	swait.ge [sflag:s7], $0x3400;
	p0 =	seq.s32 s13, $0x1  }
0xe: {  	s13 =	simm.s32 @!p1 $0x3;
	[sflag:s7] =	ssyncset.done $0x0;
	p2 =	por !p0, p1  }
0xf: {  	[sflag:s7] =	ssyncadd.s32 $0xFFFFCC00;
	s13 =	simm.s32 @p2 $0x2  }
0x10: {  	_ =	swait.ge @!p1 [sflag:s13], $0x8000  }
0x11: {  	s14 =	sand.u32 $0x8000, s2;
	[sflag:s13] =	ssyncset.done @!p1 $0x0  }
0x12: {  	s15 =	simm.s32 $0x0;
	s16 =	sor.u32 $0x3400, s14;
	[sflag:s13] =	ssyncadd.s32 @!p1 $0xFFFF8000  }
0x13: {  	[tilespmem:s16], [sflag:$0x1] =	stream.indirect.gather [hbm4b:s3+s8], $0x20, s15, s8, $0xb8;
	[tilespmem:$0x13400] =	vst v63  }
0x14: {  	s18 =	simm.s32 $0x80;
	s17 =	sor.u32 $0x4400, s14  }
0x15: {  	[tilespmem:s17], [sflag:$0x1] =	stream.indirect.gather [hbm4b:s3+s8], $0x20, s18, s8, $0xb8;
	[tilespmem:$0x13400] =	vst v63  }
0x16: {  	s20 =	simm.s32 $0x100;
	s19 =	sor.u32 $0x5400, s14  }
0x17: {  	[tilespmem:s19], [sflag:$0x1] =	stream.indirect.gather [hbm4b:s3+s8], $0x20, s20, s8, $0xb8;
	[tilespmem:$0x13400] =	vst v63  }
0x18: {  	s22 =	simm.s32 $0x180;
	s21 =	sor.u32 $0x6400, s14  }
0x19: {  	[tilespmem:s21], [sflag:$0x1] =	stream.indirect.gather [hbm4b:s3+s8], $0x20, s22, s8, $0xb8;
	[tilespmem:$0x13400] =	vst v63  }
0x1a: {  	s24 =	simm.s32 $0x200;
	s23 =	sor.u32 $0x7400, s14  }
0x1b: {  	[tilespmem:s23], [sflag:$0x1] =	stream.indirect.gather [hbm4b:s3+s8], $0x20, s24, s8, $0xb8;
	[tilespmem:$0x13400] =	vst v63  }
0x1c: {  	s26 =	simm.s32 $0x280;
	s25 =	sadd.s32 $0x8400, s14  }
0x1d: {  	[tilespmem:s25], [sflag:$0x1] =	stream.indirect.gather [hbm4b:s3+s8], $0x20, s26, s8, $0xb8;
	[tilespmem:$0x13400] =	vst v63  }
0x1e: {  	s29 =	simm.s32 $0x300;
	s28 =	sadd.s32 $0x9400, s14  }
0x1f: {  	[tilespmem:s28], [sflag:$0x1] =	stream.indirect.gather [hbm4b:s3+s8], $0x20, s29, s8, $0xb8;
	[tilespmem:$0x13400] =	vst v63  }
0x20: {  	s31 =	simm.s32 $0x380;
	s30 =	sadd.s32 $0xA400, s14  }
0x21: {  	[tilespmem:s30], [sflag:$0x1] =	stream.indirect.gather [hbm4b:s3+s8], $0x20, s31, s8, $0xb8;
	[tilespmem:$0x13400] =	vst v63  }
0x22: {  	_ =	swait.ge [sflag:s9], $0x1000  }
0x23: {  	[sflag:s9] =	ssyncset.done $0x0  }
0x24: {  	[sflag:s9] =	ssyncadd.s32 $0xFFFFF000  }
0x25: {  	_ =	swait.ge [sflag:s9], $0x1000  }
0x26: {  	[sflag:s9] =	ssyncset.done $0x0  }
0x27: {  	[sflag:s9] =	ssyncadd.s32 $0xFFFFF000  }
0x28: {  	_ =	swait.ge [sflag:s9], $0x1000  }
0x29: {  	[sflag:s9] =	ssyncset.done $0x0  }
0x2a: {  	[sflag:s9] =	ssyncadd.s32 $0xFFFFF000  }
0x2b: {  	_ =	swait.ge [sflag:s9], $0x1000  }
0x2c: {  	[sflag:s9] =	ssyncset.done $0x0  }
0x2d: {  	[sflag:s9] =	ssyncadd.s32 $0xFFFFF000  }
0x2e: {  	_ =	swait.ge [sflag:s9], $0x1000  }
0x2f: {  	[sflag:s9] =	ssyncset.done $0x0  }
0x30: {  	[sflag:s9] =	ssyncadd.s32 $0xFFFFF000  }
0x31: {  	_ =	swait.ge [sflag:s9], $0x1000  }
0x32: {  	p3 =	por $0x1, $0x1;
	[sflag:s9] =	ssyncset.done $0x0  }
0x33: {  	s14 =	simm.s32 $0x8000;
	p0 =	por p0, p0;
	[sflag:s9] =	ssyncadd.s32 $0xFFFFF000  }
0x34: {  	s13 =	simm.s32 $0x1000;
	s15 =	simm.s32 $0x2000;
	_ =	swait.ge [sflag:s9], $0x1000  }
0x35: {  	s16 =	simm.s32 $0x1;
	s18 =	sadd.s32 $0x0, s6;
	[sflag:s9] =	ssyncset.done $0x0  }
0x36: {  	s17 =	simm.s32 @p0 $0xB400;
	s19 =	simm.s32 @!p0 $0x3400;
	[sflag:s9] =	ssyncadd.s32 $0xFFFFF000  }
0x37: {  	s20 =	simm.s32 @!p0 $0x0;
	s21 =	sand.u32 $0x1, s16;
	_ =	swait.ge [sflag:s9], $0x1000  }
0x38: {  	s22 =	simm.s32 @p0 $0x0;
	p2 =	seq.s32 s21, $0x1;
	[sflag:s9] =	ssyncset.done $0x0  }
0x39: {  	s21 =	simm.s32 @!p3 $0x3;
	p4 =	por !p2, p3;
	[sflag:s9] =	ssyncadd.s32 $0xFFFFF000  }
.LBB2_2:
0x3a: {  	[hbm4b:s18+s22] =	stream.linear.scatter @p0 [tilespmem:s17], [sflag:$0x3], $0x8000, $0x38;
	[tilespmem:$0x13400] =	vst v63  }
0x3b: {  	s17 =	smov.u32 s13;
	s13 =	smov.u32 s15  }
0x3c: {  	s15 =	sadd.s32 $0x1000, s15;
	s21 =	simm.s32 @p4 $0x2  }
0x3d: {  	[hbm4b:s18+s20] =	stream.linear.scatter @!p0 [tilespmem:s19], [sflag:$0x2], $0x8000, $0x38;
	[tilespmem:$0x13400] =	vst v63  }
0x3e: {  	p1 =	sne.s32 s15, $0xD000;
	p0 =	por p2, p2;
	_ =	swait.ge @!p3 [sflag:s21], $0x8000  }
0x3f: {  	s18 =	sand.u32 $0x8000, s14;
	[sflag:s21] =	ssyncset.done @!p3 $0x0  }
0x40: {  	s20 =	sshra.s32 s17, $0x2;
	s19 =	sor.u32 $0x3400, s18;
	[sflag:s21] =	ssyncadd.s32 @!p3 $0xFFFF8000  }
0x41: {  	[tilespmem:s19], [sflag:$0x1] =	stream.indirect.gather [hbm4b:s3+s8], $0x20, s20, s8, $0xb8;
	[tilespmem:$0x13400] =	vst v63  }
0x42: {  	s21 =	sadd.s32 $0x80, s20;
	s19 =	sor.u32 $0x4400, s18  }
0x43: {  	[tilespmem:s19], [sflag:$0x1] =	stream.indirect.gather [hbm4b:s3+s8], $0x20, s21, s8, $0xb8;
	[tilespmem:$0x13400] =	vst v63  }
0x44: {  	s19 =	sor.u32 $0x5400, s18;
	s21 =	sadd.s32 $0x100, s20  }
0x45: {  	[tilespmem:s19], [sflag:$0x1] =	stream.indirect.gather [hbm4b:s3+s8], $0x20, s21, s8, $0xb8;
	[tilespmem:$0x13400] =	vst v63  }
0x46: {  	s19 =	sor.u32 $0x6400, s18;
	s21 =	sadd.s32 $0x180, s20  }
0x47: {  	[tilespmem:s19], [sflag:$0x1] =	stream.indirect.gather [hbm4b:s3+s8], $0x20, s21, s8, $0xb8;
	[tilespmem:$0x13400] =	vst v63  }
0x48: {  	s19 =	sor.u32 $0x7400, s18;
	s21 =	sadd.s32 $0x200, s20  }
0x49: {  	[tilespmem:s19], [sflag:$0x1] =	stream.indirect.gather [hbm4b:s3+s8], $0x20, s21, s8, $0xb8;
	[tilespmem:$0x13400] =	vst v63  }
0x4a: {  	s19 =	sadd.s32 $0x8400, s18;
	s21 =	sadd.s32 $0x280, s20  }
0x4b: {  	[tilespmem:s19], [sflag:$0x1] =	stream.indirect.gather [hbm4b:s3+s8], $0x20, s21, s8, $0xb8;
	[tilespmem:$0x13400] =	vst v63  }
0x4c: {  	s19 =	sadd.s32 $0x9400, s18;
	s21 =	sadd.s32 $0x300, s20  }
0x4d: {  	[tilespmem:s19], [sflag:$0x1] =	stream.indirect.gather [hbm4b:s3+s8], $0x20, s21, s8, $0xb8;
	[tilespmem:$0x13400] =	vst v63  }
0x4e: {  	s18 =	sadd.s32 $0xA400, s18;
	s19 =	sadd.s32 $0x380, s20  }
0x4f: {  	[tilespmem:s18], [sflag:$0x1] =	stream.indirect.gather [hbm4b:s3+s8], $0x20, s19, s8, $0xb8;
	[tilespmem:$0x13400] =	vst v63  }
0x50: {  	_ =	swait.ge [sflag:s9], $0x1000  }
0x51: {  	[sflag:s9] =	ssyncset.done $0x0  }
0x52: {  	[sflag:s9] =	ssyncadd.s32 $0xFFFFF000  }
0x53: {  	_ =	swait.ge [sflag:s9], $0x1000  }
0x54: {  	[sflag:s9] =	ssyncset.done $0x0  }
0x55: {  	[sflag:s9] =	ssyncadd.s32 $0xFFFFF000  }
0x56: {  	_ =	swait.ge [sflag:s9], $0x1000  }
0x57: {  	[sflag:s9] =	ssyncset.done $0x0  }
0x58: {  	[sflag:s9] =	ssyncadd.s32 $0xFFFFF000  }
0x59: {  	_ =	swait.ge [sflag:s9], $0x1000  }
0x5a: {  	[sflag:s9] =	ssyncset.done $0x0  }
0x5b: {  	[sflag:s9] =	ssyncadd.s32 $0xFFFFF000  }
0x5c: {  	_ =	swait.ge [sflag:s9], $0x1000  }
0x5d: {  	[sflag:s9] =	ssyncset.done $0x0  }
0x5e: {  	[sflag:s9] =	ssyncadd.s32 $0xFFFFF000  }
0x5f: {  	_ =	swait.ge [sflag:s9], $0x1000  }
0x60: {  	[sflag:s9] =	ssyncset.done $0x0  }
0x61: {  	s14 =	sadd.s32 $0x8000, s14;
	[sflag:s9] =	ssyncadd.s32 $0xFFFFF000  }
0x62: {  	s16 =	sadd.s32 $0x1, s16;
	s18 =	sadd.s32 s17, s6;
	_ =	swait.ge [sflag:s9], $0x1000  }
.Ltmp0:
0x63: {  	s19 =	simm.s32 @!p0 $0x3400;
	[sflag:s9] =	ssyncset.done $0x0;
	(pc) =	sbr.rel @p1 .LBB2_2-.Ltmp0, $4  }
0x64: {  	s20 =	simm.s32 @!p0 $0x0;
	s17 =	simm.s32 @p0 $0xB400;
	[sflag:s9] =	ssyncadd.s32 $0xFFFFF000  }
0x65: {  	s22 =	simm.s32 @p0 $0x0;
	s21 =	sand.u32 $0x1, s16;
	_ =	swait.ge [sflag:s9], $0x1000  }
0x66: {  	p3 =	slt.u32 s16, $0x2;
	p2 =	seq.s32 s21, $0x1;
	[sflag:s9] =	ssyncset.done $0x0  }
0x67: {  	s21 =	simm.s32 @!p3 $0x3;
	p4 =	por !p2, p3;
	[sflag:s9] =	ssyncadd.s32 $0xFFFFF000  }
0x68: {  	[hbm4b:s18+s22] =	stream.linear.scatter @p0 [tilespmem:s17], [sflag:$0x3], $0x8000, $0x38;
	[tilespmem:$0x13400] =	vst v63  }
0x69: {  	s21 =	simm.s32 @p4 $0x2  }
0x6a: {  	[hbm4b:s18+s20] =	stream.linear.scatter @!p0 [tilespmem:s19], [sflag:$0x2], $0x8000, $0x38;
	[tilespmem:$0x13400] =	vst v63  }
0x6b: {  	_ =	swait.ge @!p3 [sflag:s21], $0x8000  }
0x6c: {  	s14 =	sand.u32 $0x8000, s14;
	[sflag:s21] =	ssyncset.done @!p3 $0x0  }
0x6d: {  	s16 =	sshra.s32 s13, $0x2;
	s15 =	sor.u32 $0x3400, s14;
	[sflag:s21] =	ssyncadd.s32 @!p3 $0xFFFF8000  }
0x6e: {  	[tilespmem:s15], [sflag:$0x1] =	stream.indirect.gather [hbm4b:s3+s8], $0x20, s16, s8, $0xb8;
	[tilespmem:$0x13400] =	vst v63  }
0x6f: {  	s18 =	sor.u32 $0x4400, s14;
	s19 =	sadd.s32 $0x80, s16  }
0x70: {  	[tilespmem:s18], [sflag:$0x1] =	stream.indirect.gather [hbm4b:s3+s8], $0x20, s19, s8, $0xb8;
	[tilespmem:$0x13400] =	vst v63  }
0x71: {  	s20 =	sor.u32 $0x5400, s14;
	s21 =	sadd.s32 $0x100, s16  }
0x72: {  	[tilespmem:s20], [sflag:$0x1] =	stream.indirect.gather [hbm4b:s3+s8], $0x20, s21, s8, $0xb8;
	[tilespmem:$0x13400] =	vst v63  }
0x73: {  	s22 =	sor.u32 $0x6400, s14;
	s23 =	sadd.s32 $0x180, s16  }
0x74: {  	[tilespmem:s22], [sflag:$0x1] =	stream.indirect.gather [hbm4b:s3+s8], $0x20, s23, s8, $0xb8;
	[tilespmem:$0x13400] =	vst v63  }
0x75: {  	s24 =	sor.u32 $0x7400, s14;
	s25 =	sadd.s32 $0x200, s16  }
0x76: {  	[tilespmem:s24], [sflag:$0x1] =	stream.indirect.gather [hbm4b:s3+s8], $0x20, s25, s8, $0xb8;
	[tilespmem:$0x13400] =	vst v63  }
0x77: {  	s26 =	sadd.s32 $0x8400, s14;
	s28 =	sadd.s32 $0x280, s16  }
0x78: {  	[tilespmem:s26], [sflag:$0x1] =	stream.indirect.gather [hbm4b:s3+s8], $0x20, s28, s8, $0xb8;
	[tilespmem:$0x13400] =	vst v63  }
0x79: {  	s29 =	sadd.s32 $0x9400, s14;
	s30 =	sadd.s32 $0x300, s16  }
0x7a: {  	[tilespmem:s29], [sflag:$0x1] =	stream.indirect.gather [hbm4b:s3+s8], $0x20, s30, s8, $0xb8;
	[tilespmem:$0x13400] =	vst v63  }
0x7b: {  	s31 =	sadd.s32 $0x380, s16;
	s14 =	sadd.s32 $0xA400, s14  }
0x7c: {  	[tilespmem:s14], [sflag:$0x1] =	stream.indirect.gather [hbm4b:s3+s8], $0x20, s31, s8, $0xb8;
	[tilespmem:$0x13400] =	vst v63  }
0x7d: {  	_ =	swait.ge [sflag:s9], $0x1000  }
0x7e: {  	[sflag:s9] =	ssyncset.done $0x0  }
0x7f: {  	[sflag:s9] =	ssyncadd.s32 $0xFFFFF000  }
0x80: {  	_ =	swait.ge [sflag:s9], $0x1000  }
0x81: {  	[sflag:s9] =	ssyncset.done $0x0  }
0x82: {  	[sflag:s9] =	ssyncadd.s32 $0xFFFFF000  }
0x83: {  	_ =	swait.ge [sflag:s9], $0x1000  }
0x84: {  	[sflag:s9] =	ssyncset.done $0x0  }
0x85: {  	[sflag:s9] =	ssyncadd.s32 $0xFFFFF000  }
0x86: {  	_ =	swait.ge [sflag:s9], $0x1000  }
0x87: {  	[sflag:s9] =	ssyncset.done $0x0  }
0x88: {  	[sflag:s9] =	ssyncadd.s32 $0xFFFFF000  }
0x89: {  	_ =	swait.ge [sflag:s9], $0x1000  }
0x8a: {  	[sflag:s9] =	ssyncset.done $0x0  }
0x8b: {  	[sflag:s9] =	ssyncadd.s32 $0xFFFFF000  }
0x8c: {  	_ =	swait.ge [sflag:s9], $0x1000  }
0x8d: {  	[sflag:s9] =	ssyncset.done $0x0  }
0x8e: {  	[sflag:s9] =	ssyncadd.s32 $0xFFFFF000  }
0x8f: {  	_ =	swait.ge [sflag:s9], $0x1000  }
0x90: {  	[sflag:s9] =	ssyncset.done $0x0  }
0x91: {  	[sflag:s9] =	ssyncadd.s32 $0xFFFFF000  }
0x92: {  	_ =	swait.ge [sflag:s9], $0x1000  }
0x93: {  	s13 =	sadd.s32 s13, s6;
	p0 =	por p2, p2;
	[sflag:s9] =	ssyncset.done $0x0  }
0x94: {  	s15 =	simm.s32 @p0 $0x0;
	s14 =	simm.s32 @p0 $0xB400;
	[sflag:s9] =	ssyncadd.s32 $0xFFFFF000  }
0x95: {  	[hbm4b:s13+s15] =	stream.linear.scatter @p0 [tilespmem:s14], [sflag:$0x3], $0x8000, $0x38;
	[tilespmem:$0x13400] =	vst v63  }
0x96: {  	s12 =	sadd.s32 $0x1, s12;
	s14 =	simm.s32 @!p0 $0x3400;
	s15 =	simm.s32 @!p0 $0x0  }
0x97: {  	[hbm4b:s13+s15] =	stream.linear.scatter @!p0 [tilespmem:s14], [sflag:$0x2], $0x8000, $0x38;
	[tilespmem:$0x13400] =	vst v63  }
0x98: {  	p0 =	sne.s32 s12, s5;
	_ =	swait.ge [sflag:s10], $0x8000  }
.Ltmp1:
0x99: {  	[sflag:s10] =	ssyncset.done $0x0;
	(pc) =	sbr.rel @p0 .LBB2_1-.Ltmp1, $4  }
0x9a: {  	[sflag:s10] =	ssyncadd.s32 $0xFFFF8000  }
0x9b: {  	_ =	swait.ge [sflag:s11], $0x8000  }
0x9c: {  	[sflag:s11] =	ssyncset.done $0x0  }
0x9d: {  	[sflag:s11] =	ssyncadd.s32 $0xFFFF8000  }
0x9e: {  	_ =	sfence.sel $0x180000  }
0x9f: {  	[bflag:$0x0] =	sbarrier.arrive $0xFFFF  }
0xa0: {  	p0 =	sne.s32 s0, $0x0;
	_ =	strace $0x90000047  }
0xa1: {  	s0 =	sadd.s32 @!p0 $0x100000, s1;
	[bflag:$0x2] =	sbarrier.arrive $0xFFFF  }
0xa2: {  	[sflag:s0] =	ssyncadd.tile.s32 @!p0 $0x1;
	_ =	shalt  }
.Lfunc_end2:
_tile_overlayer_lowered:
.L_overlay_start_2:
0xa3: {  	(tag) =	ssettag $0x2  }
0xa4: {  	s0 =	rddreg [dreg:$0x0];
	s2 =	stileid.u32  }
0xa5: {  	s1 =	rddreg [dreg:$0x1];
	p0 =	sne.s32 s2, $0x0  }
0xa6: {  	s3 =	rddreg [dreg:$0x2];
	[bflag:$0x3] =	sbarrier.arrive $0xFFFF;
	s2 =	simm.s32 @!p0 $0x1C04  }
0xa7: {  	[timem:s3], [sflag:s2] =	dma.local @!p0 [hbm:s0], s1  }
0xa8: {  	s0 =	simm.s32 @!p0 $0x4  }
0xa9: {  	_ =	swait.ge @!p0 [sflag:s0], s1  }
0xaa: {  	s1 =	ssub.s32 @!p0 $0x0, s1;
	[sflag:s0] =	ssyncset.done @!p0 $0x0  }
0xab: {  	[sflag:s0] =	ssyncadd.s32 @!p0 s1  }
0xac: {  	[bflag:$0x3] =	sbarrier.arrive $0xFFFF  }
0xad: {  	_ =	shalt  }

// kernel: sparse-core-data-format-call.cloned.1.call-start
scs
called_computation_lowered:
.L_overlay_start_0:
0x0: {  	s2 =	sld [smem:$0x3FD9]  }
0x1: {  	s3 =	sld [smem:$0x3FFE];
	_ =	sdelay $0x1  }
0x2: {  	s1 =	srdreg.scid  }
0x3: {  	s0 =	sand.u32 $0x1, s1  }
0x4: {  	s18 =	sshll.u32 s0, $0xA;
	s2 =	sadd.s32 s3, s2  }
0x5: {  	s2 =	sadd.s32 s2, s18  }
0x6: {  	[smem:$0x3FC6] =	sst s2  }
0x7: {  	_ = 	snop  }
0x8: {  	s2 =	sld [smem:$0x3FD0];
	(tm) =	ssettm $0x1  }
0x9: {  	s19 =	sld [smem:$0x3FFB];
	_ =	sdelay $0x3  }
0xa: {  	_ =	strace s19  }
0xb: {  	s3 =	sld [smem:$0x3FFC];
	_ =	sdelay $0x3  }
0xc: {  	_ =	strace s3  }
0xd: {  	s3 =	sld [smem:$0x3FFD];
	_ =	sdelay $0x3  }
0xe: {  	_ =	strace s3  }
0xf: {  	_ =	strace $0x8FFFFFFF  }
0x10: {  	s20 =	sld [smem:$0x3FDB];
	_ =	sdelay $0x1  }
0x11: {  	s4 =	simm.s32 $_scs_section_size  }
0x12: {  	s5 =	simm.s32 $_size__tile_overlayer_lowered;
	s6 =	simm.s32 $_tile_overlayer_lowered  }
0x13: {  	s23 =	simm.s32 $0x1BFF;
	s22 =	sshll.u32 s6, $0x1;
	s3 =	sadd.s32 s4, s20  }
0x14: {  	s7 =	simm.s32 $0x0;
	s21 =	sshll.u32 s5, $0x1;
	s5 =	sadd.s32 s22, s3  }
0x15: {  	[timem:s7], [sflag:s23] =	dma.local [hbm:s5], s21  }
0x16: {  	_ =	swait.ge [sflag:s23], s21  }
0x17: {  	s4 =	ssub.s32 $0x0, s21;
	[sflag:s23] =	ssyncset.done $0x0  }
0x18: {  	[sflag:s23] =	ssyncadd.s32 s4;
	_ =	sdelay $0x1  }
0x19: {  	s24 =	simm.s32 $0x1B8B  }
0x1a: {  	_ =	swait.ge [sflag:s24], $0x1  }
0x1b: {  	[sflag:s24] =	ssyncset.done $0x0  }
0x1c: {  	s26 =	simm.s32 $0x1B8E;
	s25 =	sld [smem:$0x3FFE];
	[sflag:s24] =	ssyncadd.s32 $0xFFFFFFFF  }
0x1d: {  	s27 =	simm.s32 $execute0_lowered;
	[smem:$0x3FD2] =	sst s26  }
0x1e: {  	s5 =	sshll.u32 s27, $0x1;
	_ =	strace $0x80000049;
	[dreg:$0x1] =	wrdreg $0xFFFFFFFF  }
0x1f: {  	s28 =	simm.s32 $_size_execute0_lowered;
	s3 =	sadd.s32 s3, s5;
	[dreg:$0x0] =	wrdreg $0x0  }
0x20: {  	s5 =	sshll.u32 s28, $0x1;
	[dreg:$0x2] =	wrdreg s3  }
0x21: {  	[dreg:$0x3] =	wrdreg s5  }
0x22: {  	[dreg:$0x4] =	wrdreg $0xC0  }
0x23: {  	_ =	task [dreg:s7], $0x5FFFF  }
0x24: {  	[dreg:$0x1] =	wrdreg $0xFFFFFFFF  }
0x25: {  	[dreg:$0x0] =	wrdreg $0x60  }
0x26: {  	[dreg:$0x2] =	wrdreg s25  }
0x27: {  	[dreg:$0x3] =	wrdreg s2  }
0x28: {  	[dreg:$0x4] =	wrdreg $0x9  }
0x29: {  	_ =	task.clear_ibuf [dreg:s7], $0x5FFFF;
	_ =	strace $0x90000049  }
0x2a: {  	s29 =	simm.s32 $0x9;
	_ =	strace $0x8000004B  }
0x2b: {  	_ =	swait.ge [sflag:s29], $0x1  }
0x2c: {  	[sflag:s29] =	ssyncadd.s32 $0xFFFFFFFF  }
0x2d: {  	_ =	strace $0x9000004B  }
0x2e: {  	_ =	sfence  }
0x2f: {  	s30 =	sld [smem:$0x0];
	_ =	sdelay $0x2  }
0x30: {  	s31 =	sshll.u32 s1, $0xD;
	s1 =	sshrl.u32 s1, $0x2  }
0x31: {  	s3 =	sand.u32 $0x4000, s31;
	s1 =	sadd.s32 s1, s30  }
0x32: {  	s0 =	sor.u32 s3, s0;
	s1 =	sshll.u32 s1, $0x11  }
0x33: {  	s0 =	sor.u32 s1, s0  }
0x34: {  	s0 =	sadd.s32 $0x8F2B, s0  }
0x35: {  	[sflag:s0] =	ssyncadd.remote.s32 $0x1  }
0x36: {  	_ =	sfence.sel $0xFFFF  }
0x37: {  	[dreg:$0x0] =	wrdreg $0xFFFFFFFF;
	(pc) =	sbr.abs _section_cstart, $3  }
0x38: {  	[dreg:$0x1] =	wrdreg $0xFFFFFFFF  }
0x39: {  	_ =	task.clear_ibuf [dreg:s7], $0x2FFFF;
	_ =	strace $0x9FFFFFFF  }
0x3a: {  	(tm) =	ssettm $0x7FFFFFFF  }
0x3b: {  	_ =	shalt  }
tec
execute0_lowered:
.L_overlay_start_1:
0x0: {  	(tag) =	ssettag $0x1  }
0x1: {  	s0 =	srdreg.scid  }
0x2: {  	s1 =	sshll.u32 s0, $0x4  }
0x3: {  	s0 =	stileid.u32;
	s1 =	sand.u32 $0x10, s1  }
0x4: {  	s1 =	sor.u32 s0, s1  }
0x5: {  	s6 =	rddreg [dreg:$0x0];
	s4 =	simm.s32 $0x1;
	s2 =	sshll.u32 s1, $0x7  }
0x6: {  	s7 =	simm.s32 $0x2;
	s12 =	simm.s32 $0x0;
	s1 =	ssub.s32 $0x4000, s2  }
0x7: {  	s8 =	simm.s32 $0x20000;
	s13 =	simm.s32 $0x0;
	s3 =	sand.u32 $0xF80, s1  }
0x8: {  	s9 =	simm.s32 $0x0;
	s5 =	sshrl.u32 s1, $0xC;
	p0 =	sne.s32 s3, $0x0  }
.Ltmp0:
0x9: {  	s1 =	rddreg [dreg:$0x2];
	s4 =	simm.s32 @!p0 $0x0;
	(pc) =	sbr.rel .LBB1_1-.Ltmp0, $4  }
0xa: {  	s11 =	simm.s32 $0x0;
	s3 =	rddreg [dreg:$0x1];
	s5 =	sadd.s32 s4, s5  }
0xb: {  	_ =	strace $0x8000004A;
	s4 =	simm.s32 $0x1;
	s5 =	smul.u32 $0x1A, s5  }
0xc: {  	s6 =	sadd.s32 $0xA00, s6;
	s10 =	smov.u32 s2;
	[sflag:s4] =	ssyncpa.u1 $0x0  }
0xd: {  	p0 =	por $0x0, $0x0;
	[sflag:s7] =	ssyncpa.u1 $0x0;
	s7 =	sor.u32 $0x1, s5  }
.LBB1_4:
0xe: {  	s16 =	sshll.u32 s13, $0x3;
	s17 =	sand.u32 $0x78, s13  }
0xf: {  	s30 =	sand.u32 $0xF800, s13;
	s12 =	sshll.u32 s12, $0x10;
	s16 =	sand.u32 $0x3C00, s16  }
0x10: {  	s31 =	sand.u32 $0x7, s13;
	s16 =	sor.u32 s17, s16;
	s17 =	sadd.s32 s3, s30  }
0x11: {  	s13 =	sshll.u32 s31, $0x12;
	s16 =	sshrl.u32 s16, $0x3;
	s12 =	sadd.s32 s12, s17  }
0x12: {  	[tilespmem:s15+$0x0 ss:$0x81] =	vst.msk $0xffff, v0;
	s13 =	sor.u32 $0x400, s13;
	s12 =	sadd.s32 s16, s12  }
0x13: {  	[hbm4b:s12+s13] =	stream.strided.scatter [tilespmem:s14], [sflag:$0x2], $0x1000, s8, s13, $0x20;
	[tilespmem:$0x4040] =	vst v63  }
.LBB1_5:
0x14: {  	s14 =	sadd.s32 $0x1, s9  }
0x15: {  	s12 =	sadd.s32 $0x1000, s10;
	s16 =	smov.u32 s10;
	p2 =	sgt.s32 s14, $0x19  }
0x16: {  	s16 =	smov.u32 @p2 s12  }
0x17: {  	s14 =	simm.s32 @p2 $0x0;
	p2 =	sgt.s32 s16, $0x3FFF  }
0x18: {  	s16 =	smov.u32 @p2 s2;
	p2 =	sne.s32 s11, s7  }
.Ltmp1:
0x19: {  	p1 =	slt.u32 s11, $0x2;
	(pc) =	sbr.rel @!p2 .LBB1_6-.Ltmp1, $4  }
0x1a: {  	s15 =	simm.s32 @!p1 $0x2  }
0x1b: {  	s13 =	smov.u32 s10;
	p0 =	por !p0, !p0;
	_ =	swait.ge @!p1 [sflag:s15], $0x1000  }
0x1c: {  	s12 =	smov.u32 s9;
	[sflag:s15] =	ssyncset.done @!p1 $0x0;
	s9 =	smov.u32 s14  }
0x1d: {  	s11 =	sadd.s32 $0x1, s11;
	[sflag:s15] =	ssyncadd.s32 @!p1 $0xFFFFF000;
	s10 =	smov.u32 s16  }
.LBB1_1:
0x1e: {  	p1 =	sge.u32 s11, s5  }
0x1f: {  	s31 =	sadd.s32 $0xFFFFFFFF, s11;
	s14 =	sxor.u32 @!p1 $0xFFFFFFFF, s11  }
0x20: {  	s15 =	sshll.u32 @!p1 s10, $0x9;
	s16 =	sshll.u32 @!p1 s9, $0x4;
	s17 =	simm.s32 @!p1 $0x1000  }
0x21: {  	s14 =	sshll.u32 @!p1 s14, $0xC;
	s16 =	sand.u32 @!p1 $0x1F0, s16;
	s15 =	sadd.s32 @!p1 s6, s15  }
0x22: {  	s14 =	sand.u32 @!p1 $0x1000, s14;
	s15 =	sadd.s32 @!p1 s16, s15;
	s16 =	simm.s32 @!p1 $0x20  }
0x23: {  	[tilespmem:s14], [sflag:$0x1] =	stream.strided.gather @!p1 [hbm4b:s15+s16], $0x1000, s17, s16, $0x38;
	[tilespmem:$0x4040] =	vst v63  }
0x24: {  	p1 =	sge.u32 s31, s5  }
.Ltmp2:
0x25: {  	_ = 	snop;
	(pc) =	sbr.rel @p1 .LBB1_5-.Ltmp2, $1  }
0x26: {  	_ =	sdelay $0x3  }
0x27: {  	s14 =	simm.s32 $0x1  }
0x28: {  	_ =	swait.ge [sflag:s4], $0x1000;
	s14 =	simm.s32 @!p0 $0x0  }
0x29: {  	[sflag:s4] =	ssyncset.done $0x0;
	s15 =	sshll.u32 s14, $0xC  }
0x2a: {  	[sflag:s4] =	ssyncadd.s32 $0xFFFFF000;
	s18 =	sor.u32 $0x10, s15  }
0x2b: {  	s14 =	smul.u32 $0x4080, s14;
	v1 =	vld [tilespmem:s18+$0x0]  }
0x2c: {  	s30 =	sand.u32 $0x1, s11;
	v0 =	vld [tilespmem:s18+$0xFFFFFFF0]  }
0x2d: {  	s15 =	smul.u32 $0x4080, s30;
	s14 =	sshrl.u32 s14, $0x2  }
0x2e: {  	s16 =	sor.u32 $0x2000, s14  }
0x2f: {  	s31 =	sshrl.u32 s15, $0x2;
	s15 =	sadd.s32 $0x0, s16  }
0x30: {  	s17 =	simm.s32 $0x4;
	s18 =	sadd.s32 $0x20, s18;
	s14 =	sor.u32 $0x2000, s31;
	[tilespmem:s15+$0x810 ss:$0x81] =	vst.msk $0xffff, v1  }
.LBB1_3:
0x31: {  	v1 =	vld [tilespmem:s18+$0x0];
	p1 =	sne.s32 s17, $0x1FC;
	[tilespmem:s15+$0x0 ss:$0x81] =	vst.msk $0xffff, v0;
	s15 =	smov.u32 s17;
	s17 =	sadd.s32 $0x4, s17  }
.Ltmp3:
0x32: {  	v0 =	vld [tilespmem:s18+$0xFFFFFFF0];
	(pc) =	sbr.rel @p1 .LBB1_3-.Ltmp3, $4  }
0x33: {  	_ = 	snop  }
0x34: {  	s15 =	sshra.s32 s15, $0x2  }
0x35: {  	s15 =	sadd.s32 s15, s16  }
0x36: {  	s18 =	sadd.s32 $0x20, s18;
	[tilespmem:s15+$0x810 ss:$0x81] =	vst.msk $0xffff, v1  }
.Ltmp4:
0x37: {  	_ = 	snop;
	(pc) =	sbr.rel .LBB1_4-.Ltmp4, $1  }
0x38: {  	_ =	sdelay $0x3  }
.LBB1_6:
0x39: {  	_ =	sfence.sel $0x180000  }
0x3a: {  	s2 =	simm.s32 $0x1;
	[bflag:$0x0] =	sbarrier.arrive $0xFFFF  }
0x3b: {  	s31 =	simm.s32 $0x2;
	[sflag:s2] =	ssyncpa.u1 $0x1  }
0x3c: {  	[sflag:s31] =	ssyncpa.u1 $0x1  }
0x3d: {  	p0 =	sne.s32 s0, $0x0;
	_ =	strace $0x9000004A  }
0x3e: {  	s0 =	sadd.s32 @!p0 $0x100000, s1;
	[bflag:$0x2] =	sbarrier.arrive $0xFFFF  }
0x3f: {  	[sflag:s0] =	ssyncadd.tile.s32 @!p0 $0x1;
	_ =	shalt  }
.Lfunc_end1:
_tile_overlayer_lowered:
.L_overlay_start_2:
0x40: {  	(tag) =	ssettag $0x2  }
0x41: {  	s0 =	rddreg [dreg:$0x0];
	s2 =	stileid.u32  }
0x42: {  	s1 =	rddreg [dreg:$0x1];
	p0 =	sne.s32 s2, $0x0  }
0x43: {  	s3 =	rddreg [dreg:$0x2];
	[bflag:$0x3] =	sbarrier.arrive $0xFFFF;
	s2 =	simm.s32 @!p0 $0x1C01  }
0x44: {  	[timem:s3], [sflag:s2] =	dma.local @!p0 [hbm:s0], s1  }
0x45: {  	s0 =	simm.s32 @!p0 $0x1  }
0x46: {  	_ =	swait.ge @!p0 [sflag:s0], s1  }
0x47: {  	s1 =	ssub.s32 @!p0 $0x0, s1;
	[sflag:s0] =	ssyncset.done @!p0 $0x0  }
0x48: {  	[sflag:s0] =	ssyncadd.s32 @!p0 s1  }
0x49: {  	[bflag:$0x3] =	sbarrier.arrive $0xFFFF  }
0x4a: {  	_ =	shalt  }

</sc_bundles>
